<compile_context>
chip_gen: v7x
topology: tpu7x:2x2x1
jax: 0.10.2.dev20260603
libtpu: 0.0.44.dev20260713+nightly
codegen_flags: <defaults>
</compile_context>

<pallas_src>
import functools

import jax
import jax.numpy as jnp
import numpy as np
from jax import lax
from jax.experimental import pallas as pl
from jax.experimental.pallas import tpu as pltpu
from jax.experimental.pallas import tpu_sc as plsc

T = 32768
D = 768
E = 8
K = 2
TILE = 4096

_SC_CORES = 2
_SC_SUBCORES = 16
_SC_WORKERS = _SC_CORES * _SC_SUBCORES
_SPAN = T // _SC_WORKERS
_VEC = 16


def _threefry2x32(ks0, ks1, x0, x1):
    def rotl(x, d):
        return (x << np.uint32(d)) | (x >> np.uint32(32 - d))
    ks2 = np.uint32(ks0 ^ ks1 ^ np.uint32(0x1BD11BDA))
    rotations = [(13, 15, 26, 6), (17, 29, 16, 24)]
    x0 = (x0 + ks0).astype(np.uint32)
    x1 = (x1 + ks1).astype(np.uint32)
    ks = [ks0, ks1, ks2]
    for i in range(5):
        for r in rotations[i % 2]:
            x0 = (x0 + x1).astype(np.uint32)
            x1 = rotl(x1, r).astype(np.uint32)
            x1 = x1 ^ x0
        x0 = (x0 + ks[(i + 1) % 3]).astype(np.uint32)
        x1 = (x1 + ks[(i + 2) % 3] + np.uint32(i + 1)).astype(np.uint32)
    return x0, x1


def _erfinv_f32(x):
    w = (-np.log1p((-x * x).astype(np.float32))).astype(np.float32)
    w_small = (w - np.float32(2.5)).astype(np.float32)
    w_big = (np.sqrt(w, dtype=np.float32) - np.float32(3.0)).astype(np.float32)
    cs = [2.81022636e-08, 3.43273939e-07, -3.5233877e-06, -4.39150654e-06,
          0.00021858087, -0.00125372503, -0.00417768164, 0.246640727,
          1.50140941]
    cb = [-0.000200214257, 0.000100950558, 0.00134934322, -0.00367342844,
          0.00573950773, -0.0076224613, 0.00943887047, 1.00167406, 2.83297682]
    ps = np.float32(cs[0])
    pb = np.float32(cb[0])
    for c in cs[1:]:
        ps = (ps * w_small + np.float32(c)).astype(np.float32)
    for c in cb[1:]:
        pb = (pb * w_big + np.float32(c)).astype(np.float32)
    p = np.where(w < np.float32(5.0), ps, pb).astype(np.float32)
    return (p * x).astype(np.float32)


def _make_noise(seed, shape):
    num = int(np.prod(shape))
    idx = np.arange(num, dtype=np.uint64)
    hi = (idx >> np.uint64(32)).astype(np.uint32)
    lo = (idx & np.uint64(0xFFFFFFFF)).astype(np.uint32)
    b0, b1 = _threefry2x32(np.uint32(seed >> 32), np.uint32(seed & 0xFFFFFFFF),
                           hi, lo)
    bits = b0 ^ b1
    f = ((bits >> np.uint32(9)) | np.uint32(0x3F800000)).view(np.float32)
    u01 = (f - np.float32(1.0)).astype(np.float32)
    lo_f = np.float32(np.nextafter(np.float32(-1.0), np.float32(0.0)))
    u = (u01 * (np.float32(1.0) - lo_f) + lo_f).astype(np.float32)
    u = np.maximum(lo_f, u)
    return (np.float32(np.sqrt(2)) * _erfinv_f32(u)).reshape(shape)


_NOISE_T = np.ascontiguousarray(_make_noise(42, (T, E)).T)


def _dense_kernel(x_ref, w_ref, b_ref, nv_ref, keyed_ref):
    acc = jnp.dot(x_ref[...], w_ref[...], preferred_element_type=jnp.float32)
    acc_t = acc.T + b_ref[...]
    logits = acc_t[:E, :]
    noise_logits = acc_t[E:, :]
    std = jnp.logaddexp(noise_logits, 0.0)
    noisy = logits + nv_ref[...] * std

    e = jax.lax.broadcasted_iota(jnp.int32, noisy.shape, 0)
    bits = noisy.view(jnp.int32)
    neg = bits < 0
    low = jnp.where(neg, e, (E - 1) - e)
    keyed_ref[...] = ((bits & ~jnp.int32(E - 1)) | low).view(jnp.float32)


def _routing_kernel(keyed_hbm, out_hbm, idx_hbm, kv, ov, iv):
    wid = lax.axis_index("s") * _SC_CORES + lax.axis_index("c")
    base = wid * _SPAN
    pltpu.sync_copy(keyed_hbm.at[:, pl.ds(base, _SPAN)], kv)

    neg_inf = jnp.full((_VEC,), -jnp.inf, jnp.float32)

    @plsc.parallel_loop(0, _SPAN // _VEC, 1, unroll=4)
    def body(j):
        o = j * _VEC
        vs = [kv[e, pl.ds(o, _VEC)] for e in range(E)]
        k1 = vs[0]
        for e in range(1, E):
            k1 = jnp.maximum(k1, vs[e])
        k2 = neg_inf
        for e in range(E):
            k2 = jnp.maximum(k2, jnp.where(vs[e] == k1, neg_inf, vs[e]))

        def unpack(k):
            b = lax.bitcast_convert_type(k, jnp.int32)
            lw = b & (E - 1)
            return jnp.where(b < 0, lw, (E - 1) - lw)

        i1 = unpack(k1)
        i2 = unpack(k2)
        t = jnp.exp(k2 - k1)
        p1 = 1.0 / (1.0 + t)
        p2 = t * p1
        zero = jnp.zeros((_VEC,), jnp.float32)
        for e in range(E):
            ov[e, pl.ds(o, _VEC)] = jnp.where(
                i1 == e, p1, jnp.where(i2 == e, p2, zero))
        iv[0, pl.ds(o, _VEC)] = i1
        iv[1, pl.ds(o, _VEC)] = i2

    pltpu.sync_copy(ov, out_hbm.at[:, pl.ds(base, _SPAN)])
    pltpu.sync_copy(iv, idx_hbm.at[:, pl.ds(base, _SPAN)])


@jax.jit
def kernel(x, W_route, b_route, W_noise, b_noise):
    w_cat = jnp.concatenate([W_route.T, W_noise.T], axis=1)
    b_cat = jnp.concatenate([b_route, b_noise])[:, None]
    noise_t = jnp.asarray(_NOISE_T)

    keyed = pl.pallas_call(
        _dense_kernel,
        grid=(T // TILE,),
        in_specs=[
            pl.BlockSpec((TILE, D), lambda i: (i, 0)),
            pl.BlockSpec((D, 2 * E), lambda i: (0, 0)),
            pl.BlockSpec((2 * E, 1), lambda i: (0, 0)),
            pl.BlockSpec((E, TILE), lambda i: (0, i)),
        ],
        out_specs=pl.BlockSpec((E, TILE), lambda i: (0, i)),
        out_shape=jax.ShapeDtypeStruct((E, T), jnp.float32),
        compiler_params=pltpu.CompilerParams(
            dimension_semantics=("parallel",)),
    )(x, w_cat, b_cat, noise_t)

    routing = functools.partial(
        pl.kernel,
        mesh=plsc.VectorSubcoreMesh(core_axis_name="c", subcore_axis_name="s"),
        out_type=[
            jax.ShapeDtypeStruct((E, T), jnp.float32),
            jax.ShapeDtypeStruct((K, T), jnp.int32),
        ],
        scratch_types=[
            pltpu.VMEM((E, _SPAN), jnp.float32),
            pltpu.VMEM((E, _SPAN), jnp.float32),
            pltpu.VMEM((K, _SPAN), jnp.int32),
        ],
    )(_routing_kernel)
    out_t, idx_t = routing(keyed)
    return out_t.T, idx_t.T

# --- scband reference (transcript-rebuilt; emitter-appended) ---
"""Pipeline reference for scband-noisy-topk-router-63419487093415 (READ-ONLY COPY).

The authoritative reference and input builder live on the scoring server;
editing this copy changes nothing except your own understanding.
"""

import jax, jax.numpy as jnp
import numpy as np

T = 32768
D = 768
E = 8
K = 2


def setup_inputs(seed: int = 0) -> dict:
    key = jax.random.key(seed)
    k1, k2, k3 = jax.random.split(key, 3)
    x = jax.random.normal(k1, (T, D), dtype=jnp.float32)
    # xavier_normal_ init: std = sqrt(2 / (fan_in + fan_out))
    std = (2.0 / (D + E)) ** 0.5
    W_route = jax.random.normal(k2, (E, D), dtype=jnp.float32) * std
    b_route = jnp.zeros((E,), dtype=jnp.float32)
    W_noise = jax.random.normal(k3, (E, D), dtype=jnp.float32) * std
    b_noise = jnp.zeros((E,), dtype=jnp.float32)
    return {"x": x, "W_route": W_route, "b_route": b_route, "W_noise": W_noise, "b_noise": b_noise}


def reference(x, W_route, b_route, W_noise, b_noise):
    logits = x @ W_route.T + b_route
    noise_logits = x @ W_noise.T + b_noise
    noise_stddev = jax.nn.softplus(noise_logits)
    # torch.randn_like -> fixed-key standard normal (constant w.r.t. inputs)
    noise_vals = jax.random.normal(jax.random.key(42), logits.shape, dtype=logits.dtype)
    noisy_logits = logits + noise_vals * noise_stddev
    top_k_logits, indices = jax.lax.top_k(noisy_logits, K)
    rows = jnp.arange(noisy_logits.shape[0])[:, None]
    sparse_logits = jnp.full_like(noisy_logits, -jnp.inf).at[rows, indices].set(top_k_logits)
    router_output = jax.nn.softmax(sparse_logits, axis=-1)
    return router_output, indices

if __name__ == "__main__":
    import jax
    _d = setup_inputs()
    print(jax.jit(kernel)(*tuple(_d.values())))

</pallas_src>

<mosaic_0001>
#map = affine_map<(d0, d1) -> (0, 0)>
module attributes {stable_mosaic.version = 14 : i64} {
  func.func @_routing_kernel(%arg0: i32, %arg1: i32, %arg2: memref<8x32768xf32, #tpu.memory_space<hbm>>, %arg3: memref<8x32768xf32, #tpu.memory_space<hbm>>, %arg4: memref<2x32768xi32, #tpu.memory_space<hbm>>, %arg5: memref<8x1024xf32, #tpu.memory_space<vmem>>, %arg6: memref<8x1024xf32, #tpu.memory_space<vmem>>, %arg7: memref<2x1024xi32, #tpu.memory_space<vmem>>) attributes {dimension_semantics = [#tpu.dimension_semantics<core_parallel>, #tpu.dimension_semantics<subcore_parallel>], iteration_bounds = array<i64: 2, 16>, scalar_prefetch = 0 : i64, scratch_operands = 3 : i64, tpu.core_type = #tpu.core_type<sc_vector_subcore>, window_params = [{transform_indices = #map}, {transform_indices = #map}, {transform_indices = #map}]} {
    %mul3A = arith.constant 2 : i32
    %mul3A_0 = arith.muli %arg1, %mul3A : i32
    %add3A = arith.addi %mul3A_0, %arg0 : i32
    %mul3A_1 = arith.constant 1024 : i32
    %mul3A_2 = arith.muli %add3A, %mul3A_1 : i32
    "tpu.region"() ({
      %run_scoped3A = tpu.sem_alloc : memref<!tpu.dma_semaphore, #tpu.memory_space<semaphore_mem>>
      %dma_start3A = arith.constant 0 : i32
      %dma_start3A_6 = tpu.memref_slice %arg2[%dma_start3A, %mul3A_2] : memref<8x32768xf32, #tpu.memory_space<hbm>> -> memref<8x1024xf32, #tpu.memory_space<hbm>>
      %dma_start3A_7 = arith.constant 0 : i32
      %dma_start3A_8 = tpu.memref_slice %arg2[%dma_start3A_7, %mul3A_2] : memref<8x32768xf32, #tpu.memory_space<hbm>> -> memref<8x1024xf32, #tpu.memory_space<hbm>>
      tpu.enqueue_dma source(%dma_start3A_8 : memref<8x1024xf32, #tpu.memory_space<hbm>>) target(%arg5 : memref<8x1024xf32, #tpu.memory_space<vmem>>) target_semaphore(%run_scoped3A : memref<!tpu.dma_semaphore, #tpu.memory_space<semaphore_mem>>)
      %dma_wait3A = arith.constant 0 : i32
      %dma_wait3A_9 = tpu.memref_slice %arg2[%dma_wait3A, %mul3A_2] : memref<8x32768xf32, #tpu.memory_space<hbm>> -> memref<8x1024xf32, #tpu.memory_space<hbm>>
      %dma_wait3A_10 = arith.constant 0 : i32
      %dma_wait3A_11 = tpu.memref_slice %arg2[%dma_wait3A_10, %mul3A_2] : memref<8x32768xf32, #tpu.memory_space<hbm>> -> memref<8x1024xf32, #tpu.memory_space<hbm>>
      tpu.wait_dma2 semaphore(%run_scoped3A : memref<!tpu.dma_semaphore, #tpu.memory_space<semaphore_mem>>) src(%dma_wait3A_11 : memref<8x1024xf32, #tpu.memory_space<hbm>>) dst(%arg5 : memref<8x1024xf32, #tpu.memory_space<vmem>>)
      tpu.yield
    }) : () -> ()
    %broadcast_in_dim3A = arith.constant 0xFF800000 : f32
    %broadcast_in_dim3A_3 = vector.broadcast %broadcast_in_dim3A : f32 to vector<16xf32>
    %parallel_loop3A = arith.constant 0 : i32
    %parallel_loop3A_4 = arith.constant 64 : i32
    %parallel_loop3A_5 = arith.constant 1 : i32
    scf.for %parallel_loop3A_6 = %parallel_loop3A to %parallel_loop3A_4 step %parallel_loop3A_5  : i32 {
      %parallel_loop3A_7 = arith.constant 16 : i32
      %parallel_loop3A_8 = arith.muli %parallel_loop3A_6, %parallel_loop3A_7 : i32
      %parallel_loop3A_9 = arith.constant 0 : i32
      %parallel_loop3A_10 = arith.index_cast %parallel_loop3A_9 : i32 to index
      %parallel_loop3A_11 = arith.index_cast %parallel_loop3A_8 : i32 to index
      %parallel_loop3A_12 = tpu.vector_load %arg5[%parallel_loop3A_10, %parallel_loop3A_11] {strides = array<i32>} : memref<8x1024xf32, #tpu.memory_space<vmem>>, vector<1x16xf32>,
      %parallel_loop3A_13 = vector.shape_cast %parallel_loop3A_12 : vector<1x16xf32> to vector<16xf32>
      %parallel_loop3A_14 = arith.constant 1 : i32
      %parallel_loop3A_15 = arith.index_cast %parallel_loop3A_14 : i32 to index
      %parallel_loop3A_16 = arith.index_cast %parallel_loop3A_8 : i32 to index
      %parallel_loop3A_17 = tpu.vector_load %arg5[%parallel_loop3A_15, %parallel_loop3A_16] {strides = array<i32>} : memref<8x1024xf32, #tpu.memory_space<vmem>>, vector<1x16xf32>,
      %parallel_loop3A_18 = vector.shape_cast %parallel_loop3A_17 : vector<1x16xf32> to vector<16xf32>
      %parallel_loop3A_19 = arith.constant 2 : i32
      %parallel_loop3A_20 = arith.index_cast %parallel_loop3A_19 : i32 to index
      %parallel_loop3A_21 = arith.index_cast %parallel_loop3A_8 : i32 to index
      %parallel_loop3A_22 = tpu.vector_load %arg5[%parallel_loop3A_20, %parallel_loop3A_21] {strides = array<i32>} : memref<8x1024xf32, #tpu.memory_space<vmem>>, vector<1x16xf32>,
      %parallel_loop3A_23 = vector.shape_cast %parallel_loop3A_22 : vector<1x16xf32> to vector<16xf32>
      %parallel_loop3A_24 = arith.constant 3 : i32
      %parallel_loop3A_25 = arith.index_cast %parallel_loop3A_24 : i32 to index
      %parallel_loop3A_26 = arith.index_cast %parallel_loop3A_8 : i32 to index
      %parallel_loop3A_27 = tpu.vector_load %arg5[%parallel_loop3A_25, %parallel_loop3A_26] {strides = array<i32>} : memref<8x1024xf32, #tpu.memory_space<vmem>>, vector<1x16xf32>,
      %parallel_loop3A_28 = vector.shape_cast %parallel_loop3A_27 : vector<1x16xf32> to vector<16xf32>
      %parallel_loop3A_29 = arith.constant 4 : i32
      %parallel_loop3A_30 = arith.index_cast %parallel_loop3A_29 : i32 to index
      %parallel_loop3A_31 = arith.index_cast %parallel_loop3A_8 : i32 to index
      %parallel_loop3A_32 = tpu.vector_load %arg5[%parallel_loop3A_30, %parallel_loop3A_31] {strides = array<i32>} : memref<8x1024xf32, #tpu.memory_space<vmem>>, vector<1x16xf32>,
      %parallel_loop3A_33 = vector.shape_cast %parallel_loop3A_32 : vector<1x16xf32> to vector<16xf32>
      %parallel_loop3A_34 = arith.constant 5 : i32
      %parallel_loop3A_35 = arith.index_cast %parallel_loop3A_34 : i32 to index
      %parallel_loop3A_36 = arith.index_cast %parallel_loop3A_8 : i32 to index
      %parallel_loop3A_37 = tpu.vector_load %arg5[%parallel_loop3A_35, %parallel_loop3A_36] {strides = array<i32>} : memref<8x1024xf32, #tpu.memory_space<vmem>>, vector<1x16xf32>,
      %parallel_loop3A_38 = vector.shape_cast %parallel_loop3A_37 : vector<1x16xf32> to vector<16xf32>
      %parallel_loop3A_39 = arith.constant 6 : i32
      %parallel_loop3A_40 = arith.index_cast %parallel_loop3A_39 : i32 to index
      %parallel_loop3A_41 = arith.index_cast %parallel_loop3A_8 : i32 to index
      %parallel_loop3A_42 = tpu.vector_load %arg5[%parallel_loop3A_40, %parallel_loop3A_41] {strides = array<i32>} : memref<8x1024xf32, #tpu.memory_space<vmem>>, vector<1x16xf32>,
      %parallel_loop3A_43 = vector.shape_cast %parallel_loop3A_42 : vector<1x16xf32> to vector<16xf32>
      %parallel_loop3A_44 = arith.constant 7 : i32
      %parallel_loop3A_45 = arith.index_cast %parallel_loop3A_44 : i32 to index
      %parallel_loop3A_46 = arith.index_cast %parallel_loop3A_8 : i32 to index
      %parallel_loop3A_47 = tpu.vector_load %arg5[%parallel_loop3A_45, %parallel_loop3A_46] {strides = array<i32>} : memref<8x1024xf32, #tpu.memory_space<vmem>>, vector<1x16xf32>,
      %parallel_loop3A_48 = vector.shape_cast %parallel_loop3A_47 : vector<1x16xf32> to vector<16xf32>
      %parallel_loop3A_49 = arith.maximumf %parallel_loop3A_13, %parallel_loop3A_18 : vector<16xf32>
      %parallel_loop3A_50 = arith.maximumf %parallel_loop3A_49, %parallel_loop3A_23 : vector<16xf32>
      %parallel_loop3A_51 = arith.maximumf %parallel_loop3A_50, %parallel_loop3A_28 : vector<16xf32>
      %parallel_loop3A_52 = arith.maximumf %parallel_loop3A_51, %parallel_loop3A_33 : vector<16xf32>
      %parallel_loop3A_53 = arith.maximumf %parallel_loop3A_52, %parallel_loop3A_38 : vector<16xf32>
      %parallel_loop3A_54 = arith.maximumf %parallel_loop3A_53, %parallel_loop3A_43 : vector<16xf32>
      %parallel_loop3A_55 = arith.maximumf %parallel_loop3A_54, %parallel_loop3A_48 : vector<16xf32>
      %parallel_loop3A_56 = arith.cmpf oeq, %parallel_loop3A_13, %parallel_loop3A_55 : vector<16xf32>
      %parallel_loop3A_57 = arith.select %parallel_loop3A_56, %broadcast_in_dim3A_3, %parallel_loop3A_13 : vector<16xi1>, vector<16xf32>
      %parallel_loop3A_58 = arith.maximumf %broadcast_in_dim3A_3, %parallel_loop3A_57 : vector<16xf32>
      %parallel_loop3A_59 = arith.cmpf oeq, %parallel_loop3A_18, %parallel_loop3A_55 : vector<16xf32>
      %parallel_loop3A_60 = arith.select %parallel_loop3A_59, %broadcast_in_dim3A_3, %parallel_loop3A_18 : vector<16xi1>, vector<16xf32>
      %parallel_loop3A_61 = arith.maximumf %parallel_loop3A_58, %parallel_loop3A_60 : vector<16xf32>
      %parallel_loop3A_62 = arith.cmpf oeq, %parallel_loop3A_23, %parallel_loop3A_55 : vector<16xf32>
      %parallel_loop3A_63 = arith.select %parallel_loop3A_62, %broadcast_in_dim3A_3, %parallel_loop3A_23 : vector<16xi1>, vector<16xf32>
      %parallel_loop3A_64 = arith.maximumf %parallel_loop3A_61, %parallel_loop3A_63 : vector<16xf32>
      %parallel_loop3A_65 = arith.cmpf oeq, %parallel_loop3A_28, %parallel_loop3A_55 : vector<16xf32>
      %parallel_loop3A_66 = arith.select %parallel_loop3A_65, %broadcast_in_dim3A_3, %parallel_loop3A_28 : vector<16xi1>, vector<16xf32>
      %parallel_loop3A_67 = arith.maximumf %parallel_loop3A_64, %parallel_loop3A_66 : vector<16xf32>
      %parallel_loop3A_68 = arith.cmpf oeq, %parallel_loop3A_33, %parallel_loop3A_55 : vector<16xf32>
      %parallel_loop3A_69 = arith.select %parallel_loop3A_68, %broadcast_in_dim3A_3, %parallel_loop3A_33 : vector<16xi1>, vector<16xf32>
      %parallel_loop3A_70 = arith.maximumf %parallel_loop3A_67, %parallel_loop3A_69 : vector<16xf32>
      %parallel_loop3A_71 = arith.cmpf oeq, %parallel_loop3A_38, %parallel_loop3A_55 : vector<16xf32>
      %parallel_loop3A_72 = arith.select %parallel_loop3A_71, %broadcast_in_dim3A_3, %parallel_loop3A_38 : vector<16xi1>, vector<16xf32>
      %parallel_loop3A_73 = arith.maximumf %parallel_loop3A_70, %parallel_loop3A_72 : vector<16xf32>
      %parallel_loop3A_74 = arith.cmpf oeq, %parallel_loop3A_43, %parallel_loop3A_55 : vector<16xf32>
      %parallel_loop3A_75 = arith.select %parallel_loop3A_74, %broadcast_in_dim3A_3, %parallel_loop3A_43 : vector<16xi1>, vector<16xf32>
      %parallel_loop3A_76 = arith.maximumf %parallel_loop3A_73, %parallel_loop3A_75 : vector<16xf32>
      %parallel_loop3A_77 = arith.cmpf oeq, %parallel_loop3A_48, %parallel_loop3A_55 : vector<16xf32>
      %parallel_loop3A_78 = arith.select %parallel_loop3A_77, %broadcast_in_dim3A_3, %parallel_loop3A_48 : vector<16xi1>, vector<16xf32>
      %parallel_loop3A_79 = arith.maximumf %parallel_loop3A_76, %parallel_loop3A_78 : vector<16xf32>
      %parallel_loop3A_80 = tpu.bitcast %parallel_loop3A_55 : vector<16xf32> -> vector<16xi32>
      %parallel_loop3A_81 = arith.constant 7 : i32
      %parallel_loop3A_82 = vector.broadcast %parallel_loop3A_81 : i32 to vector<16xi32>
      %parallel_loop3A_83 = arith.andi %parallel_loop3A_80, %parallel_loop3A_82 : vector<16xi32>
      %parallel_loop3A_84 = arith.constant 0 : i32
      %parallel_loop3A_85 = vector.broadcast %parallel_loop3A_84 : i32 to vector<16xi32>
      %parallel_loop3A_86 = arith.cmpi slt, %parallel_loop3A_80, %parallel_loop3A_85 : vector<16xi32>
      %parallel_loop3A_87 = arith.constant 7 : i32
      %parallel_loop3A_88 = vector.broadcast %parallel_loop3A_87 : i32 to vector<16xi32>
      %parallel_loop3A_89 = arith.subi %parallel_loop3A_88, %parallel_loop3A_83 : vector<16xi32>
      %parallel_loop3A_90 = arith.select %parallel_loop3A_86, %parallel_loop3A_83, %parallel_loop3A_89 : vector<16xi1>, vector<16xi32>
      %parallel_loop3A_91 = tpu.bitcast %parallel_loop3A_79 : vector<16xf32> -> vector<16xi32>
      %parallel_loop3A_92 = arith.constant 7 : i32
      %parallel_loop3A_93 = vector.broadcast %parallel_loop3A_92 : i32 to vector<16xi32>
      %parallel_loop3A_94 = arith.andi %parallel_loop3A_91, %parallel_loop3A_93 : vector<16xi32>
      %parallel_loop3A_95 = arith.constant 0 : i32
      %parallel_loop3A_96 = vector.broadcast %parallel_loop3A_95 : i32 to vector<16xi32>
      %parallel_loop3A_97 = arith.cmpi slt, %parallel_loop3A_91, %parallel_loop3A_96 : vector<16xi32>
      %parallel_loop3A_98 = arith.constant 7 : i32
      %parallel_loop3A_99 = vector.broadcast %parallel_loop3A_98 : i32 to vector<16xi32>
      %parallel_loop3A_100 = arith.subi %parallel_loop3A_99, %parallel_loop3A_94 : vector<16xi32>
      %parallel_loop3A_101 = arith.select %parallel_loop3A_97, %parallel_loop3A_94, %parallel_loop3A_100 : vector<16xi1>, vector<16xi32>
      %parallel_loop3A_102 = arith.subf %parallel_loop3A_79, %parallel_loop3A_55 : vector<16xf32>
      %parallel_loop3A_103 = math.exp %parallel_loop3A_102 : vector<16xf32>
      %parallel_loop3A_104 = arith.constant 1.000000e+00 : f32
      %parallel_loop3A_105 = vector.broadcast %parallel_loop3A_104 : f32 to vector<16xf32>
      %parallel_loop3A_106 = arith.addf %parallel_loop3A_105, %parallel_loop3A_103 : vector<16xf32>
      %parallel_loop3A_107 = arith.constant 1.000000e+00 : f32
      %parallel_loop3A_108 = vector.broadcast %parallel_loop3A_107 : f32 to vector<16xf32>
      %parallel_loop3A_109 = arith.divf %parallel_loop3A_108, %parallel_loop3A_106 : vector<16xf32>
      %parallel_loop3A_110 = arith.mulf %parallel_loop3A_103, %parallel_loop3A_109 : vector<16xf32>
      %parallel_loop3A_111 = arith.constant 0.000000e+00 : f32
      %parallel_loop3A_112 = vector.broadcast %parallel_loop3A_111 : f32 to vector<16xf32>
      %parallel_loop3A_113 = arith.constant 0 : i32
      %parallel_loop3A_114 = vector.broadcast %parallel_loop3A_113 : i32 to vector<16xi32>
      %parallel_loop3A_115 = arith.cmpi eq, %parallel_loop3A_90, %parallel_loop3A_114 : vector<16xi32>
      %parallel_loop3A_116 = arith.constant 0 : i32
      %parallel_loop3A_117 = vector.broadcast %parallel_loop3A_116 : i32 to vector<16xi32>
      %parallel_loop3A_118 = arith.cmpi eq, %parallel_loop3A_101, %parallel_loop3A_117 : vector<16xi32>
      %parallel_loop3A_119 = arith.select %parallel_loop3A_118, %parallel_loop3A_110, %parallel_loop3A_112 : vector<16xi1>, vector<16xf32>
      %parallel_loop3A_120 = arith.select %parallel_loop3A_115, %parallel_loop3A_109, %parallel_loop3A_119 : vector<16xi1>, vector<16xf32>
      %parallel_loop3A_121 = arith.constant 0 : i32
      %parallel_loop3A_122 = arith.index_cast %parallel_loop3A_121 : i32 to index
      %parallel_loop3A_123 = arith.index_cast %parallel_loop3A_8 : i32 to index
      %parallel_loop3A_124 = tpu.vector_load %arg6[%parallel_loop3A_122, %parallel_loop3A_123] {strides = array<i32>} : memref<8x1024xf32, #tpu.memory_space<vmem>>, vector<1x16xf32>,
      %parallel_loop3A_125 = vector.shape_cast %parallel_loop3A_124 : vector<1x16xf32> to vector<16xf32>
      %parallel_loop3A_126 = vector.shape_cast %parallel_loop3A_120 : vector<16xf32> to vector<1x16xf32>
      tpu.vector_store %arg6[%parallel_loop3A_122, %parallel_loop3A_123], %parallel_loop3A_126 {strides = array<i32>} : memref<8x1024xf32, #tpu.memory_space<vmem>>, vector<1x16xf32>,
      %parallel_loop3A_127 = arith.constant 1 : i32
      %parallel_loop3A_128 = vector.broadcast %parallel_loop3A_127 : i32 to vector<16xi32>
      %parallel_loop3A_129 = arith.cmpi eq, %parallel_loop3A_90, %parallel_loop3A_128 : vector<16xi32>
      %parallel_loop3A_130 = arith.constant 1 : i32
      %parallel_loop3A_131 = vector.broadcast %parallel_loop3A_130 : i32 to vector<16xi32>
      %parallel_loop3A_132 = arith.cmpi eq, %parallel_loop3A_101, %parallel_loop3A_131 : vector<16xi32>
      %parallel_loop3A_133 = arith.select %parallel_loop3A_132, %parallel_loop3A_110, %parallel_loop3A_112 : vector<16xi1>, vector<16xf32>
      %parallel_loop3A_134 = arith.select %parallel_loop3A_129, %parallel_loop3A_109, %parallel_loop3A_133 : vector<16xi1>, vector<16xf32>
      %parallel_loop3A_135 = arith.constant 1 : i32
      %parallel_loop3A_136 = arith.index_cast %parallel_loop3A_135 : i32 to index
      %parallel_loop3A_137 = arith.index_cast %parallel_loop3A_8 : i32 to index
      %parallel_loop3A_138 = tpu.vector_load %arg6[%parallel_loop3A_136, %parallel_loop3A_137] {strides = array<i32>} : memref<8x1024xf32, #tpu.memory_space<vmem>>, vector<1x16xf32>,
      %parallel_loop3A_139 = vector.shape_cast %parallel_loop3A_138 : vector<1x16xf32> to vector<16xf32>
      %parallel_loop3A_140 = vector.shape_cast %parallel_loop3A_134 : vector<16xf32> to vector<1x16xf32>
      tpu.vector_store %arg6[%parallel_loop3A_136, %parallel_loop3A_137], %parallel_loop3A_140 {strides = array<i32>} : memref<8x1024xf32, #tpu.memory_space<vmem>>, vector<1x16xf32>,
      %parallel_loop3A_141 = arith.constant 2 : i32
      %parallel_loop3A_142 = vector.broadcast %parallel_loop3A_141 : i32 to vector<16xi32>
      %parallel_loop3A_143 = arith.cmpi eq, %parallel_loop3A_90, %parallel_loop3A_142 : vector<16xi32>
      %parallel_loop3A_144 = arith.constant 2 : i32
      %parallel_loop3A_145 = vector.broadcast %parallel_loop3A_144 : i32 to vector<16xi32>
      %parallel_loop3A_146 = arith.cmpi eq, %parallel_loop3A_101, %parallel_loop3A_145 : vector<16xi32>
      %parallel_loop3A_147 = arith.select %parallel_loop3A_146, %parallel_loop3A_110, %parallel_loop3A_112 : vector<16xi1>, vector<16xf32>
      %parallel_loop3A_148 = arith.select %parallel_loop3A_143, %parallel_loop3A_109, %parallel_loop3A_147 : vector<16xi1>, vector<16xf32>
      %parallel_loop3A_149 = arith.constant 2 : i32
      %parallel_loop3A_150 = arith.index_cast %parallel_loop3A_149 : i32 to index
      %parallel_loop3A_151 = arith.index_cast %parallel_loop3A_8 : i32 to index
      %parallel_loop3A_152 = tpu.vector_load %arg6[%parallel_loop3A_150, %parallel_loop3A_151] {strides = array<i32>} : memref<8x1024xf32, #tpu.memory_space<vmem>>, vector<1x16xf32>,
      %parallel_loop3A_153 = vector.shape_cast %parallel_loop3A_152 : vector<1x16xf32> to vector<16xf32>
      %parallel_loop3A_154 = vector.shape_cast %parallel_loop3A_148 : vector<16xf32> to vector<1x16xf32>
      tpu.vector_store %arg6[%parallel_loop3A_150, %parallel_loop3A_151], %parallel_loop3A_154 {strides = array<i32>} : memref<8x1024xf32, #tpu.memory_space<vmem>>, vector<1x16xf32>,
      %parallel_loop3A_155 = arith.constant 3 : i32
      %parallel_loop3A_156 = vector.broadcast %parallel_loop3A_155 : i32 to vector<16xi32>
      %parallel_loop3A_157 = arith.cmpi eq, %parallel_loop3A_90, %parallel_loop3A_156 : vector<16xi32>
      %parallel_loop3A_158 = arith.constant 3 : i32
      %parallel_loop3A_159 = vector.broadcast %parallel_loop3A_158 : i32 to vector<16xi32>
      %parallel_loop3A_160 = arith.cmpi eq, %parallel_loop3A_101, %parallel_loop3A_159 : vector<16xi32>
      %parallel_loop3A_161 = arith.select %parallel_loop3A_160, %parallel_loop3A_110, %parallel_loop3A_112 : vector<16xi1>, vector<16xf32>
      %parallel_loop3A_162 = arith.select %parallel_loop3A_157, %parallel_loop3A_109, %parallel_loop3A_161 : vector<16xi1>, vector<16xf32>
      %parallel_loop3A_163 = arith.constant 3 : i32
      %parallel_loop3A_164 = arith.index_cast %parallel_loop3A_163 : i32 to index
      %parallel_loop3A_165 = arith.index_cast %parallel_loop3A_8 : i32 to index
      %parallel_loop3A_166 = tpu.vector_load %arg6[%parallel_loop3A_164, %parallel_loop3A_165] {strides = array<i32>} : memref<8x1024xf32, #tpu.memory_space<vmem>>, vector<1x16xf32>,
      %parallel_loop3A_167 = vector.shape_cast %parallel_loop3A_166 : vector<1x16xf32> to vector<16xf32>
      %parallel_loop3A_168 = vector.shape_cast %parallel_loop3A_162 : vector<16xf32> to vector<1x16xf32>
      tpu.vector_store %arg6[%parallel_loop3A_164, %parallel_loop3A_165], %parallel_loop3A_168 {strides = array<i32>} : memref<8x1024xf32, #tpu.memory_space<vmem>>, vector<1x16xf32>,
      %parallel_loop3A_169 = arith.constant 4 : i32
      %parallel_loop3A_170 = vector.broadcast %parallel_loop3A_169 : i32 to vector<16xi32>
      %parallel_loop3A_171 = arith.cmpi eq, %parallel_loop3A_90, %parallel_loop3A_170 : vector<16xi32>
      %parallel_loop3A_172 = arith.constant 4 : i32
      %parallel_loop3A_173 = vector.broadcast %parallel_loop3A_172 : i32 to vector<16xi32>
      %parallel_loop3A_174 = arith.cmpi eq, %parallel_loop3A_101, %parallel_loop3A_173 : vector<16xi32>
      %parallel_loop3A_175 = arith.select %parallel_loop3A_174, %parallel_loop3A_110, %parallel_loop3A_112 : vector<16xi1>, vector<16xf32>
      %parallel_loop3A_176 = arith.select %parallel_loop3A_171, %parallel_loop3A_109, %parallel_loop3A_175 : vector<16xi1>, vector<16xf32>
      %parallel_loop3A_177 = arith.constant 4 : i32
      %parallel_loop3A_178 = arith.index_cast %parallel_loop3A_177 : i32 to index
      %parallel_loop3A_179 = arith.index_cast %parallel_loop3A_8 : i32 to index
      %parallel_loop3A_180 = tpu.vector_load %arg6[%parallel_loop3A_178, %parallel_loop3A_179] {strides = array<i32>} : memref<8x1024xf32, #tpu.memory_space<vmem>>, vector<1x16xf32>,
      %parallel_loop3A_181 = vector.shape_cast %parallel_loop3A_180 : vector<1x16xf32> to vector<16xf32>
      %parallel_loop3A_182 = vector.shape_cast %parallel_loop3A_176 : vector<16xf32> to vector<1x16xf32>
      tpu.vector_store %arg6[%parallel_loop3A_178, %parallel_loop3A_179], %parallel_loop3A_182 {strides = array<i32>} : memref<8x1024xf32, #tpu.memory_space<vmem>>, vector<1x16xf32>,
      %parallel_loop3A_183 = arith.constant 5 : i32
      %parallel_loop3A_184 = vector.broadcast %parallel_loop3A_183 : i32 to vector<16xi32>
      %parallel_loop3A_185 = arith.cmpi eq, %parallel_loop3A_90, %parallel_loop3A_184 : vector<16xi32>
      %parallel_loop3A_186 = arith.constant 5 : i32
      %parallel_loop3A_187 = vector.broadcast %parallel_loop3A_186 : i32 to vector<16xi32>
      %parallel_loop3A_188 = arith.cmpi eq, %parallel_loop3A_101, %parallel_loop3A_187 : vector<16xi32>
      %parallel_loop3A_189 = arith.select %parallel_loop3A_188, %parallel_loop3A_110, %parallel_loop3A_112 : vector<16xi1>, vector<16xf32>
      %parallel_loop3A_190 = arith.select %parallel_loop3A_185, %parallel_loop3A_109, %parallel_loop3A_189 : vector<16xi1>, vector<16xf32>
      %parallel_loop3A_191 = arith.constant 5 : i32
      %parallel_loop3A_192 = arith.index_cast %parallel_loop3A_191 : i32 to index
      %parallel_loop3A_193 = arith.index_cast %parallel_loop3A_8 : i32 to index
      %parallel_loop3A_194 = tpu.vector_load %arg6[%parallel_loop3A_192, %parallel_loop3A_193] {strides = array<i32>} : memref<8x1024xf32, #tpu.memory_space<vmem>>, vector<1x16xf32>,
      %parallel_loop3A_195 = vector.shape_cast %parallel_loop3A_194 : vector<1x16xf32> to vector<16xf32>
      %parallel_loop3A_196 = vector.shape_cast %parallel_loop3A_190 : vector<16xf32> to vector<1x16xf32>
      tpu.vector_store %arg6[%parallel_loop3A_192, %parallel_loop3A_193], %parallel_loop3A_196 {strides = array<i32>} : memref<8x1024xf32, #tpu.memory_space<vmem>>, vector<1x16xf32>,
      %parallel_loop3A_197 = arith.constant 6 : i32
      %parallel_loop3A_198 = vector.broadcast %parallel_loop3A_197 : i32 to vector<16xi32>
      %parallel_loop3A_199 = arith.cmpi eq, %parallel_loop3A_90, %parallel_loop3A_198 : vector<16xi32>
      %parallel_loop3A_200 = arith.constant 6 : i32
      %parallel_loop3A_201 = vector.broadcast %parallel_loop3A_200 : i32 to vector<16xi32>
      %parallel_loop3A_202 = arith.cmpi eq, %parallel_loop3A_101, %parallel_loop3A_201 : vector<16xi32>
      %parallel_loop3A_203 = arith.select %parallel_loop3A_202, %parallel_loop3A_110, %parallel_loop3A_112 : vector<16xi1>, vector<16xf32>
      %parallel_loop3A_204 = arith.select %parallel_loop3A_199, %parallel_loop3A_109, %parallel_loop3A_203 : vector<16xi1>, vector<16xf32>
      %parallel_loop3A_205 = arith.constant 6 : i32
      %parallel_loop3A_206 = arith.index_cast %parallel_loop3A_205 : i32 to index
      %parallel_loop3A_207 = arith.index_cast %parallel_loop3A_8 : i32 to index
      %parallel_loop3A_208 = tpu.vector_load %arg6[%parallel_loop3A_206, %parallel_loop3A_207] {strides = array<i32>} : memref<8x1024xf32, #tpu.memory_space<vmem>>, vector<1x16xf32>,
      %parallel_loop3A_209 = vector.shape_cast %parallel_loop3A_208 : vector<1x16xf32> to vector<16xf32>
      %parallel_loop3A_210 = vector.shape_cast %parallel_loop3A_204 : vector<16xf32> to vector<1x16xf32>
      tpu.vector_store %arg6[%parallel_loop3A_206, %parallel_loop3A_207], %parallel_loop3A_210 {strides = array<i32>} : memref<8x1024xf32, #tpu.memory_space<vmem>>, vector<1x16xf32>,
      %parallel_loop3A_211 = arith.constant 7 : i32
      %parallel_loop3A_212 = vector.broadcast %parallel_loop3A_211 : i32 to vector<16xi32>
      %parallel_loop3A_213 = arith.cmpi eq, %parallel_loop3A_90, %parallel_loop3A_212 : vector<16xi32>
      %parallel_loop3A_214 = arith.constant 7 : i32
      %parallel_loop3A_215 = vector.broadcast %parallel_loop3A_214 : i32 to vector<16xi32>
      %parallel_loop3A_216 = arith.cmpi eq, %parallel_loop3A_101, %parallel_loop3A_215 : vector<16xi32>
      %parallel_loop3A_217 = arith.select %parallel_loop3A_216, %parallel_loop3A_110, %parallel_loop3A_112 : vector<16xi1>, vector<16xf32>
      %parallel_loop3A_218 = arith.select %parallel_loop3A_213, %parallel_loop3A_109, %parallel_loop3A_217 : vector<16xi1>, vector<16xf32>
      %parallel_loop3A_219 = arith.constant 7 : i32
      %parallel_loop3A_220 = arith.index_cast %parallel_loop3A_219 : i32 to index
      %parallel_loop3A_221 = arith.index_cast %parallel_loop3A_8 : i32 to index
      %parallel_loop3A_222 = tpu.vector_load %arg6[%parallel_loop3A_220, %parallel_loop3A_221] {strides = array<i32>} : memref<8x1024xf32, #tpu.memory_space<vmem>>, vector<1x16xf32>,
      %parallel_loop3A_223 = vector.shape_cast %parallel_loop3A_222 : vector<1x16xf32> to vector<16xf32>
      %parallel_loop3A_224 = vector.shape_cast %parallel_loop3A_218 : vector<16xf32> to vector<1x16xf32>
      tpu.vector_store %arg6[%parallel_loop3A_220, %parallel_loop3A_221], %parallel_loop3A_224 {strides = array<i32>} : memref<8x1024xf32, #tpu.memory_space<vmem>>, vector<1x16xf32>,
      %parallel_loop3A_225 = arith.constant 0 : i32
      %parallel_loop3A_226 = arith.index_cast %parallel_loop3A_225 : i32 to index
      %parallel_loop3A_227 = arith.index_cast %parallel_loop3A_8 : i32 to index
      %parallel_loop3A_228 = tpu.vector_load %arg7[%parallel_loop3A_226, %parallel_loop3A_227] {strides = array<i32>} : memref<2x1024xi32, #tpu.memory_space<vmem>>, vector<1x16xi32>,
      %parallel_loop3A_229 = vector.shape_cast %parallel_loop3A_228 : vector<1x16xi32> to vector<16xi32>
      %parallel_loop3A_230 = vector.shape_cast %parallel_loop3A_90 : vector<16xi32> to vector<1x16xi32>
      tpu.vector_store %arg7[%parallel_loop3A_226, %parallel_loop3A_227], %parallel_loop3A_230 {strides = array<i32>} : memref<2x1024xi32, #tpu.memory_space<vmem>>, vector<1x16xi32>,
      %parallel_loop3A_231 = arith.constant 1 : i32
      %parallel_loop3A_232 = arith.index_cast %parallel_loop3A_231 : i32 to index
      %parallel_loop3A_233 = arith.index_cast %parallel_loop3A_8 : i32 to index
      %parallel_loop3A_234 = tpu.vector_load %arg7[%parallel_loop3A_232, %parallel_loop3A_233] {strides = array<i32>} : memref<2x1024xi32, #tpu.memory_space<vmem>>, vector<1x16xi32>,
      %parallel_loop3A_235 = vector.shape_cast %parallel_loop3A_234 : vector<1x16xi32> to vector<16xi32>
      %parallel_loop3A_236 = vector.shape_cast %parallel_loop3A_101 : vector<16xi32> to vector<1x16xi32>
      tpu.vector_store %arg7[%parallel_loop3A_232, %parallel_loop3A_233], %parallel_loop3A_236 {strides = array<i32>} : memref<2x1024xi32, #tpu.memory_space<vmem>>, vector<1x16xi32>,
    } {sc.loop_unroll_factor = 4 : i64, sc.parallel_access}
    "tpu.region"() ({
      %run_scoped3A = tpu.sem_alloc : memref<!tpu.dma_semaphore, #tpu.memory_space<semaphore_mem>>
      %dma_start3A = arith.constant 0 : i32
      %dma_start3A_6 = tpu.memref_slice %arg3[%dma_start3A, %mul3A_2] : memref<8x32768xf32, #tpu.memory_space<hbm>> -> memref<8x1024xf32, #tpu.memory_space<hbm>>
      %dma_start3A_7 = arith.constant 0 : i32
      %dma_start3A_8 = tpu.memref_slice %arg3[%dma_start3A_7, %mul3A_2] : memref<8x32768xf32, #tpu.memory_space<hbm>> -> memref<8x1024xf32, #tpu.memory_space<hbm>>
      tpu.enqueue_dma source(%arg6 : memref<8x1024xf32, #tpu.memory_space<vmem>>) target(%dma_start3A_8 : memref<8x1024xf32, #tpu.memory_space<hbm>>) target_semaphore(%run_scoped3A : memref<!tpu.dma_semaphore, #tpu.memory_space<semaphore_mem>>)
      %dma_wait3A = arith.constant 0 : i32
      %dma_wait3A_9 = tpu.memref_slice %arg3[%dma_wait3A, %mul3A_2] : memref<8x32768xf32, #tpu.memory_space<hbm>> -> memref<8x1024xf32, #tpu.memory_space<hbm>>
      %dma_wait3A_10 = arith.constant 0 : i32
      %dma_wait3A_11 = tpu.memref_slice %arg3[%dma_wait3A_10, %mul3A_2] : memref<8x32768xf32, #tpu.memory_space<hbm>> -> memref<8x1024xf32, #tpu.memory_space<hbm>>
      tpu.wait_dma2 semaphore(%run_scoped3A : memref<!tpu.dma_semaphore, #tpu.memory_space<semaphore_mem>>) src(%arg6 : memref<8x1024xf32, #tpu.memory_space<vmem>>) dst(%dma_wait3A_11 : memref<8x1024xf32, #tpu.memory_space<hbm>>)
      tpu.yield
    }) : () -> ()
    "tpu.region"() ({
      %run_scoped3A = tpu.sem_alloc : memref<!tpu.dma_semaphore, #tpu.memory_space<semaphore_mem>>
      %dma_start3A = arith.constant 0 : i32
      %dma_start3A_6 = tpu.memref_slice %arg4[%dma_start3A, %mul3A_2] : memref<2x32768xi32, #tpu.memory_space<hbm>> -> memref<2x1024xi32, #tpu.memory_space<hbm>>
      %dma_start3A_7 = arith.constant 0 : i32
      %dma_start3A_8 = tpu.memref_slice %arg4[%dma_start3A_7, %mul3A_2] : memref<2x32768xi32, #tpu.memory_space<hbm>> -> memref<2x1024xi32, #tpu.memory_space<hbm>>
      tpu.enqueue_dma source(%arg7 : memref<2x1024xi32, #tpu.memory_space<vmem>>) target(%dma_start3A_8 : memref<2x1024xi32, #tpu.memory_space<hbm>>) target_semaphore(%run_scoped3A : memref<!tpu.dma_semaphore, #tpu.memory_space<semaphore_mem>>)
      %dma_wait3A = arith.constant 0 : i32
      %dma_wait3A_9 = tpu.memref_slice %arg4[%dma_wait3A, %mul3A_2] : memref<2x32768xi32, #tpu.memory_space<hbm>> -> memref<2x1024xi32, #tpu.memory_space<hbm>>
      %dma_wait3A_10 = arith.constant 0 : i32
      %dma_wait3A_11 = tpu.memref_slice %arg4[%dma_wait3A_10, %mul3A_2] : memref<2x32768xi32, #tpu.memory_space<hbm>> -> memref<2x1024xi32, #tpu.memory_space<hbm>>
      tpu.wait_dma2 semaphore(%run_scoped3A : memref<!tpu.dma_semaphore, #tpu.memory_space<semaphore_mem>>) src(%arg7 : memref<2x1024xi32, #tpu.memory_space<vmem>>) dst(%dma_wait3A_11 : memref<2x1024xi32, #tpu.memory_space<hbm>>)
      tpu.yield
    }) : () -> ()
    return
  }
}

module attributes {stable_mosaic.version = 14 : i64} {
  func.func @_dense_kernel(%arg0: i32, %arg1: memref<4096x768xf32, #tpu.memory_space<vmem>>, %arg2: memref<768x16xf32, #tpu.memory_space<vmem>>, %arg3: memref<16x1xf32, #tpu.memory_space<vmem>>, %arg4: memref<8x4096xf32, #tpu.memory_space<vmem>>, %arg5: memref<8x4096xf32, #tpu.memory_space<vmem>>) attributes {dimension_semantics = [#tpu.dimension_semantics<parallel>], iteration_bounds = array<i64: 8>, scalar_prefetch = 0 : i64, scratch_operands = 0 : i64, tpu.core_type = #tpu.core_type<tc>, window_params = [{transform_indices = @transform_0, window_bounds = array<i64: 4096, 768>}, {pipeline_mode = #tpu.pipeline_mode<synchronous>, transform_indices = @transform_1, window_bounds = array<i64: 768, 16>}, {pipeline_mode = #tpu.pipeline_mode<synchronous>, transform_indices = @transform_2, window_bounds = array<i64: 16, 1>}, {transform_indices = @transform_3, window_bounds = array<i64: 8, 4096>}, {transform_indices = @transform_4, window_bounds = array<i64: 8, 4096>}]} {
    %get3A = arith.constant 0 : index
    %get3A_0 = arith.constant 0 : index
    %get3A_1 = vector.load %arg1[%get3A, %get3A_0] : memref<4096x768xf32, #tpu.memory_space<vmem>>, vector<4096x768xf32>
    %get3A_2 = arith.constant 0 : index
    %get3A_3 = arith.constant 0 : index
    %get3A_4 = vector.load %arg2[%get3A_2, %get3A_3] : memref<768x16xf32, #tpu.memory_space<vmem>>, vector<768x16xf32>
    %dot_general3A = arith.constant dense<0.000000e+00> : vector<4096x16xf32>
    %dot_general3A_5 = tpu.matmul %get3A_1, %get3A_4, %dot_general3A {dimension_numbers = #tpu.dot_dimension_numbers<[1], [0], [0], [1], [0, 0, 1, 1], [], []>, transpose_lhs_hint = false} : vector<4096x768xf32>, vector<768x16xf32>, vector<4096x16xf32> -> vector<4096x16xf32>
    %transpose3A = tpu.transpose %dot_general3A_5, [1, 0] : vector<4096x16xf32> -> vector<16x4096xf32>
    %get3A_6 = arith.constant 0 : index
    %get3A_7 = arith.constant 0 : index
    %get3A_8 = vector.load %arg3[%get3A_6, %get3A_7] : memref<16x1xf32, #tpu.memory_space<vmem>>, vector<16x1xf32>
    %add3A = vector.broadcast %get3A_8 : vector<16x1xf32> to vector<16x4096xf32>
    %add3A_9 = arith.addf %transpose3A, %add3A : vector<16x4096xf32>
    %slice3A = vector.extract_strided_slice %add3A_9 {offsets = [0, 0], sizes = [8, 4096], strides = [1, 1]} : vector<16x4096xf32> to vector<8x4096xf32>
    %slice3A_10 = vector.extract_strided_slice %add3A_9 {offsets = [8, 0], sizes = [8, 4096], strides = [1, 1]} : vector<16x4096xf32> to vector<8x4096xf32>
    %custom_jvp_call3A = arith.constant 0.000000e+00 : f32
    %max3A = vector.broadcast %custom_jvp_call3A : f32 to vector<8x4096xf32>
    %max3A_11 = arith.maximumf %slice3A_10, %max3A : vector<8x4096xf32>
    %sub3A = vector.broadcast %custom_jvp_call3A : f32 to vector<8x4096xf32>
    %sub3A_12 = arith.subf %slice3A_10, %sub3A : vector<8x4096xf32>
    %ne3A = arith.cmpf one, %sub3A_12, %sub3A_12 : vector<8x4096xf32>
    %add3A_13 = vector.broadcast %custom_jvp_call3A : f32 to vector<8x4096xf32>
    %add3A_14 = arith.addf %slice3A_10, %add3A_13 : vector<8x4096xf32>
    %abs3A = math.absf %sub3A_12 : vector<8x4096xf32>
    %neg3A = arith.constant 0.000000e+00 : f32
    %neg3A_15 = vector.broadcast %neg3A : f32 to vector<8x4096xf32>
    %neg3A_16 = arith.subf %neg3A_15, %abs3A : vector<8x4096xf32>
    %exp3A = math.exp %neg3A_16 : vector<8x4096xf32>
    %log1p3A = math.log1p %exp3A : vector<8x4096xf32>
    %add3A_17 = arith.addf %max3A_11, %log1p3A : vector<8x4096xf32>
    %select_n3A = arith.select %ne3A, %add3A_14, %add3A_17 : vector<8x4096xi1>, vector<8x4096xf32>
    %get3A_18 = arith.constant 0 : index
    %get3A_19 = arith.constant 0 : index
    %get3A_20 = vector.load %arg4[%get3A_18, %get3A_19] : memref<8x4096xf32, #tpu.memory_space<vmem>>, vector<8x4096xf32>
    %mul3A = arith.mulf %get3A_20, %select_n3A : vector<8x4096xf32>
    %add3A_21 = arith.addf %slice3A, %mul3A : vector<8x4096xf32>
    %iota3A = tpu.iota {dimensions = array<i32: 0>} : vector<8x4096xi32>
    %bitcast_convert_type3A = tpu.bitcast %add3A_21 : vector<8x4096xf32> -> vector<8x4096xi32>
    %lt3A = arith.constant 0 : i32
    %lt3A_22 = vector.broadcast %lt3A : i32 to vector<8x4096xi32>
    %lt3A_23 = arith.cmpi slt, %bitcast_convert_type3A, %lt3A_22 : vector<8x4096xi32>
    %sub3A_24 = arith.constant 7 : i32
    %sub3A_25 = vector.broadcast %sub3A_24 : i32 to vector<8x4096xi32>
    %sub3A_26 = arith.subi %sub3A_25, %iota3A : vector<8x4096xi32>
    %select_n3A_27 = arith.select %lt3A_23, %iota3A, %sub3A_26 : vector<8x4096xi1>, vector<8x4096xi32>
    %not3A = arith.constant 7 : i32
    %not3A_28 = arith.constant -1 : i32
    %not3A_29 = arith.xori %not3A, %not3A_28 : i32
    %and3A = vector.broadcast %not3A_29 : i32 to vector<8x4096xi32>
    %and3A_30 = arith.andi %bitcast_convert_type3A, %and3A : vector<8x4096xi32>
    %or3A = arith.ori %and3A_30, %select_n3A_27 : vector<8x4096xi32>
    %bitcast_convert_type3A_31 = tpu.bitcast %or3A : vector<8x4096xi32> -> vector<8x4096xf32>
    %swap3A = arith.constant 0 : index
    %swap3A_32 = arith.constant 0 : index
    %swap3A_33 = vector.load %arg5[%swap3A, %swap3A_32] : memref<8x4096xf32, #tpu.memory_space<vmem>>, vector<8x4096xf32>
    tpu.vector_store %arg5[%swap3A, %swap3A_32], %bitcast_convert_type3A_31 {strides = array<i32>} : memref<8x4096xf32, #tpu.memory_space<vmem>>, vector<8x4096xf32>,
    return
  }
  func.func @transform_0(%arg0: i32) -> (i32, i32) {
    %c0_i32 = arith.constant 0 : i32
    %c0_i32_0 = arith.constant 0 : i32
    return %arg0, %c0_i32 : i32, i32
  }
  func.func @transform_1(%arg0: i32) -> (i32, i32) {
    %c0_i32 = arith.constant 0 : i32
    %c0_i32_0 = arith.constant 0 : i32
    %c0_i32_1 = arith.constant 0 : i32
    return %c0_i32, %c0_i32_0 : i32, i32
  }
  func.func @transform_2(%arg0: i32) -> (i32, i32) {
    %c0_i32 = arith.constant 0 : i32
    %c0_i32_0 = arith.constant 0 : i32
    %c0_i32_1 = arith.constant 0 : i32
    return %c0_i32, %c0_i32_0 : i32, i32
  }
  func.func @transform_3(%arg0: i32) -> (i32, i32) {
    %c0_i32 = arith.constant 0 : i32
    %c0_i32_0 = arith.constant 0 : i32
    return %c0_i32, %arg0 : i32, i32
  }
  func.func @transform_4(%arg0: i32) -> (i32, i32) {
    %c0_i32 = arith.constant 0 : i32
    %c0_i32_0 = arith.constant 0 : i32
    return %c0_i32, %arg0 : i32, i32
  }
}

</mosaic_0001>

<sc_bundles>
// kernel: kernel.4.cloned.1.call-start
scs
__scs_entry_jumppad:
0x0: {  	(pc) =	sbr.rel $0x88, $3  }
0x1: {  	(tag) =	ssettag $0x0;
	lr =	simm.s32 $0x1  }
0x2: {  	[smem:$0x3F9C] =	sst lr;
	_ =	strace $0xD0000000  }
0x3: {  	_ = 	snop  }
0x4: {  	_ = 	snop  }
0x5: {  	_ = 	snop  }
0x6: {  	_ = 	snop  }
0x7: {  	_ = 	snop  }
__scs_overlays_trampoline_lowered:
0x8: {  	[smem:$0x3FAB] =	sst s0  }
0x9: {  	[smem:$0x3FAC] =	sst s1  }
0xa: {  	[smem:$0x3FAD] =	sst s2  }
0xb: {  	[smem:$0x3FAE] =	sst s3  }
0xc: {  	[smem:$0x3FAF] =	sst s4  }
0xd: {  	[smem:$0x3FB0] =	sst s5  }
0xe: {  	[smem:$0x3FB1] =	sst s6  }
0xf: {  	[smem:$0x3FB2] =	sst s7  }
0x10: {  	[smem:$0x3FB3] =	sst s8  }
0x11: {  	[smem:$0x3FB4] =	sst s9;
	s0 =	simm.s32 @!p0 $0x0  }
0x12: {  	s1 =	sld [smem:$0x3F9A];
	s0 =	simm.s32 @p0 $0x1  }
0x13: {  	[smem:$0x3FB5] =	sst s0;
	s0 =	simm.s32 @!p1 $0x0  }
0x14: {  	s2 =	sld [smem:$0x3F99];
	s0 =	simm.s32 @p1 $0x1  }
0x15: {  	[smem:$0x3FB6] =	sst s0;
	s0 =	simm.s32 @!p2 $0x0  }
0x16: {  	s3 =	sld [smem:$0x3FDB];
	s0 =	simm.s32 @p2 $0x1  }
0x17: {  	s4 =	simm.s32 $0x1BF5;
	[smem:$0x3FB8] =	sst s0  }
0x18: {  	s0 =	sld [smem:$0x3F9B];
	_ =	swait.ge [sflag:s4], $0x0  }
0x19: {  	s7 =	sld [smem:$0x3F9C]  }
0x1a: {  	s8 =	sadd.s32 $0xFFFFE003, lr  }
0x1b: {  	s9 =	sadd.s32 $0xFFFFFEF7, lr;
	s5 =	simm.s32 $0xFFFFFFFF;
	p2 =	slt.u32 s8, $0xFFFFF086  }
0x1c: {  	p1 =	slt.u32 s9, $0xF7A;
	s5 =	simm.s32 @!p2 $0x0  }
0x1d: {  	s5 =	simm.s32 @p1 $0x1;
	p0 =	seq.s32 s7, s2  }
0x1e: {  	s7 =	smul.u32 @!p0 $0xF7A, s2;
	p2 =	seq.s32 @!p0 s5, $0x0  }
0x1f: {  	s9 =	smul.u32 $0xF7A, s1;
	s8 =	simm.s32 @!p0 $0x1BF5;
	p2 =	por !p2, p0  }
0x20: {  	[sflag:s8] =	ssyncset.s32 @!p0 $0xFFFFF086;
	s6 =	sadd.s32 @!p0 s3, s7;
	s7 =	simm.s32 @!p0 $0x108  }
0x21: {  	s3 =	sadd.s32 s3, s9;
	s6 =	sadd.s32 @!p0 $0x88, s6;
	s7 =	simm.s32 @p2 $0x1082  }
0x22: {  	[simem:s7], [sflag:s8] =	dma.local @!p0 [hbm:s6], $0xF7A  }
0x23: {  	s9 =	sor.u32 $0xD0000000, s2;
	s6 =	simm.s32 $0x108;
	_ =	swait.ge @!p0 [sflag:s8], $0x0  }
0x24: {  	s3 =	sadd.s32 $0x88, s3;
	s6 =	simm.s32 @!p1 $0x1082;
	[sflag:s4] =	ssyncset.s32 $0xFFFFF086  }
0x25: {  	[simem:s6], [sflag:s4] =	dma.local [hbm:s3], $0xF7A  }
0x26: {  	[smem:$0x3F9C] =	sst s1;
	(tag) =	ssettag s2;
	_ =	strace s9  }
0x27: {  	s1 =	sld [smem:$0x3FAC]  }
0x28: {  	s2 =	sld [smem:$0x3FAD]  }
0x29: {  	s4 =	sld [smem:$0x3FAF]  }
0x2a: {  	p0 =	seq.s32 s5, $0x0;
	s5 =	sld [smem:$0x3FB0]  }
0x2b: {  	s6 =	sld [smem:$0x3FB1]  }
0x2c: {  	s7 =	sld [smem:$0x3FB2]  }
0x2d: {  	s3 =	simm.s32 $0x108;
	s8 =	sld [smem:$0x3FB3]  }
0x2e: {  	s3 =	simm.s32 @!p0 $0x1082;
	s9 =	sld [smem:$0x3FB4]  }
0x2f: {  	lr =	sadd.s32 s0, s3;
	s0 =	sld [smem:$0x3FAB]  }
0x30: {  	s3 =	sld [smem:$0x3FAE]  }
0x31: {  	[smem:$0x3FB7] =	sst s10  }
0x32: {  	s10 =	sld [smem:$0x3FB5];
	_ =	sdelay $0x3  }
0x33: {  	p0 =	seq.s32 s10, $0x1;
	s10 =	sld [smem:$0x3FB7];
	_ =	sdelay $0x3  }
0x34: {  	[smem:$0x3FB7] =	sst s10  }
0x35: {  	s10 =	sld [smem:$0x3FB6];
	_ =	sdelay $0x3  }
0x36: {  	p1 =	seq.s32 s10, $0x1;
	s10 =	sld [smem:$0x3FB7];
	_ =	sdelay $0x3  }
0x37: {  	[smem:$0x3FB7] =	sst s10  }
0x38: {  	s10 =	sld [smem:$0x3FB8]  }
0x39: {  	_ = 	snop;
	(pc) =	sbr.ind lr, $3  }
0x3a: {  	_ = 	snop  }
0x3b: {  	_ = 	snop  }
0x3c: {  	p2 =	seq.s32 s10, $0x1;
	s10 =	sld [smem:$0x3FB7]  }
0x3d: {  	_ =	shalt  }
0x3e: {  	_ =	shalt  }
0x3f: {  	_ =	shalt  }
0x40: {  	_ =	shalt  }
0x41: {  	_ =	shalt  }
0x42: {  	_ =	shalt  }
0x43: {  	_ =	shalt  }
0x44: {  	_ =	shalt  }
0x45: {  	_ =	shalt  }
0x46: {  	_ =	shalt  }
0x47: {  	_ =	shalt  }
0x48: {  	_ =	shalt  }
0x49: {  	_ =	shalt  }
0x4a: {  	_ =	shalt  }
0x4b: {  	_ =	shalt  }
0x4c: {  	_ =	shalt  }
0x4d: {  	_ =	shalt  }
0x4e: {  	_ =	shalt  }
0x4f: {  	_ =	shalt  }
0x50: {  	_ =	shalt  }
0x51: {  	_ =	shalt  }
0x52: {  	_ =	shalt  }
0x53: {  	_ =	shalt  }
0x54: {  	_ =	shalt  }
0x55: {  	_ =	shalt  }
0x56: {  	_ =	shalt  }
0x57: {  	_ =	shalt  }
0x58: {  	_ =	shalt  }
0x59: {  	_ =	shalt  }
0x5a: {  	_ =	shalt  }
0x5b: {  	_ =	shalt  }
0x5c: {  	_ =	shalt  }
0x5d: {  	_ =	shalt  }
0x5e: {  	_ =	shalt  }
0x5f: {  	_ =	shalt  }
0x60: {  	_ =	shalt  }
0x61: {  	_ =	shalt  }
0x62: {  	_ =	shalt  }
0x63: {  	_ =	shalt  }
0x64: {  	_ =	shalt  }
0x65: {  	_ =	shalt  }
0x66: {  	_ =	shalt  }
0x67: {  	_ =	shalt  }
0x68: {  	_ =	shalt  }
0x69: {  	_ =	shalt  }
0x6a: {  	_ =	shalt  }
0x6b: {  	_ =	shalt  }
0x6c: {  	_ =	shalt  }
0x6d: {  	_ =	shalt  }
0x6e: {  	_ =	shalt  }
0x6f: {  	_ =	shalt  }
0x70: {  	_ =	shalt  }
0x71: {  	_ =	shalt  }
0x72: {  	_ =	shalt  }
0x73: {  	_ =	shalt  }
0x74: {  	_ =	shalt  }
0x75: {  	_ =	shalt  }
0x76: {  	_ =	shalt  }
0x77: {  	_ =	shalt  }
0x78: {  	_ =	shalt  }
0x79: {  	_ =	shalt  }
0x7a: {  	_ =	shalt  }
0x7b: {  	_ =	shalt  }
0x7c: {  	_ =	shalt  }
0x7d: {  	_ =	shalt  }
0x7e: {  	_ =	shalt  }
0x7f: {  	_ =	shalt  }
0x80: {  	_ =	shalt  }
0x81: {  	_ =	shalt  }
0x82: {  	_ =	shalt  }
0x83: {  	_ =	shalt  }
0x84: {  	_ =	shalt  }
0x85: {  	_ =	shalt  }
0x86: {  	_ =	shalt  }
0x87: {  	_ =	shalt  }
.Lfunc_end0:
.L_simem_size_0:
called_computation_lowered:
.L_overlay_start_0:
0x88: {  	s2 =	sld [smem:$0x3FD9]  }
0x89: {  	s3 =	sld [smem:$0x3FFE];
	_ =	sdelay $0x1  }
0x8a: {  	s1 =	srdreg.scid  }
0x8b: {  	s0 =	sand.u32 $0x1, s1  }
0x8c: {  	s14 =	sshll.u32 s0, $0xA;
	s2 =	sadd.s32 s3, s2  }
0x8d: {  	s2 =	sadd.s32 s2, s14  }
0x8e: {  	[smem:$0x3FC3] =	sst s2  }
0x8f: {  	_ = 	snop  }
0x90: {  	s2 =	sld [smem:$0x3FD0];
	_ =	sdelay $0x2  }
0x91: {  	s15 =	simm.s32 $0xA;
	s4 =	simm.s32 $0x10  }
0x92: {  	[smem:s4], [sflag:s15] =	dma.local [hbm:s2], $0x1  }
0x93: {  	_ =	swait.eq [sflag:s15], $0x1  }
0x94: {  	[sflag:s15] =	ssyncset.done $0x0  }
0x95: {  	s16 =	sld [smem:$0x10];
	[sflag:s15] =	ssyncadd.s32 $0xFFFFFFFF  }
0x96: {  	s17 =	sld [smem:$0x11];
	(tm) =	ssettm $0x1  }
0x97: {  	s18 =	sld [smem:$0x3FFB];
	_ =	sdelay $0x3  }
0x98: {  	_ =	strace s18  }
0x99: {  	s4 =	sld [smem:$0x3FFC];
	_ =	sdelay $0x3  }
0x9a: {  	_ =	strace s4  }
0x9b: {  	s4 =	sld [smem:$0x3FFD];
	_ =	sdelay $0x3  }
0x9c: {  	_ =	strace s4  }
0x9d: {  	_ =	strace $0x8FFFFFFF  }
0x9e: {  	s19 =	sld [smem:$0x3FDB];
	_ =	sdelay $0x1  }
0x9f: {  	s5 =	simm.s32 $_scs_section_size  }
0xa0: {  	s6 =	simm.s32 $_size__tile_overlayer_lowered;
	s7 =	simm.s32 $_tile_overlayer_lowered  }
0xa1: {  	s22 =	simm.s32 $0x1BFF;
	s21 =	sshll.u32 s7, $0x1;
	s4 =	sadd.s32 s5, s19  }
0xa2: {  	s8 =	simm.s32 $0x0;
	s20 =	sshll.u32 s6, $0x1;
	s6 =	sadd.s32 s21, s4  }
0xa3: {  	[timem:s8], [sflag:s22] =	dma.local [hbm:s6], s20  }
0xa4: {  	_ =	swait.ge [sflag:s22], s20  }
0xa5: {  	s5 =	ssub.s32 $0x0, s20;
	[sflag:s22] =	ssyncset.done $0x0  }
0xa6: {  	[sflag:s22] =	ssyncadd.s32 s5;
	_ =	sdelay $0x1  }
0xa7: {  	s23 =	simm.s32 $0x1B8B  }
0xa8: {  	_ =	swait.ge [sflag:s23], $0x1  }
0xa9: {  	[sflag:s23] =	ssyncset.done $0x0  }
0xaa: {  	s25 =	simm.s32 $0x1B8E;
	s24 =	sld [smem:$0x3FFE];
	[sflag:s23] =	ssyncadd.s32 $0xFFFFFFFF  }
0xab: {  	s26 =	simm.s32 $execute0_lowered;
	[smem:$0x3FD2] =	sst s25  }
0xac: {  	s6 =	sshll.u32 s26, $0x1;
	_ =	strace $0x80000046;
	[dreg:$0x1] =	wrdreg $0xFFFFFFFF  }
0xad: {  	s28 =	simm.s32 $_size_execute0_lowered;
	s4 =	sadd.s32 s4, s6;
	[dreg:$0x0] =	wrdreg $0x0  }
0xae: {  	s6 =	sshll.u32 s28, $0x1;
	[dreg:$0x2] =	wrdreg s4  }
0xaf: {  	[dreg:$0x3] =	wrdreg s6  }
0xb0: {  	[dreg:$0x4] =	wrdreg $0xC0  }
0xb1: {  	_ =	task [dreg:s8], $0x5FFFF  }
0xb2: {  	[dreg:$0x1] =	wrdreg $0xFFFFFFFF  }
0xb3: {  	[dreg:$0x0] =	wrdreg $0x60  }
0xb4: {  	[dreg:$0x2] =	wrdreg s24  }
0xb5: {  	[dreg:$0x3] =	wrdreg s16  }
0xb6: {  	[dreg:$0x4] =	wrdreg s17  }
0xb7: {  	[dreg:$0x5] =	wrdreg $0x9  }
0xb8: {  	_ =	task.clear_ibuf [dreg:s8], $0x6FFFF;
	_ =	strace $0x90000046  }
0xb9: {  	s29 =	simm.s32 $0x9;
	_ =	strace $0x80000048  }
0xba: {  	_ =	swait.ge [sflag:s29], $0x1  }
0xbb: {  	[sflag:s29] =	ssyncadd.s32 $0xFFFFFFFF  }
0xbc: {  	_ =	strace $0x90000048  }
0xbd: {  	_ =	sfence  }
0xbe: {  	s30 =	sld [smem:$0x0];
	_ =	sdelay $0x2  }
0xbf: {  	s31 =	sshll.u32 s1, $0xD;
	s1 =	sshrl.u32 s1, $0x2  }
0xc0: {  	s3 =	sand.u32 $0x4000, s31;
	s1 =	sadd.s32 s1, s30  }
0xc1: {  	s0 =	sor.u32 s3, s0;
	s1 =	sshll.u32 s1, $0x11  }
0xc2: {  	s0 =	sor.u32 s1, s0  }
0xc3: {  	s0 =	sadd.s32 $0x8F2B, s0  }
0xc4: {  	[sflag:s0] =	ssyncadd.remote.s32 $0x1  }
0xc5: {  	_ =	sfence.sel $0xFFFF  }
0xc6: {  	[dreg:$0x0] =	wrdreg $0xFFFFFFFF;
	(pc) =	sbr.abs _section_cstart, $3  }
0xc7: {  	[dreg:$0x1] =	wrdreg $0xFFFFFFFF  }
0xc8: {  	_ =	task.clear_ibuf [dreg:s8], $0x2FFFF;
	_ =	strace $0x9FFFFFFF  }
0xc9: {  	(tm) =	ssettm $0x7FFFFFFF  }
tec
execute0_lowered:
.L_overlay_start_1:
0x0: {  	(tag) =	ssettag $0x1  }
0x1: {  	s3 =	rddreg [dreg:$0x0]  }
0x2: {  	s4 =	rddreg [dreg:$0x1]  }
0x3: {  	s5 =	rddreg [dreg:$0x2]  }
0x4: {  	s0 =	rddreg [dreg:$0x3];
	s6 =	srdreg.scid  }
0x5: {  	s2 =	simm.s32 $0x0;
	s1 =	stileid.u32;
	s9 =	simm.s32 $0x4000  }
0x6: {  	s10 =	simm.s32 $0x0;
	s6 =	sand.u32 $0x1, s6;
	s7 =	sshll.u32 s1, $0xB  }
0x7: {  	[smem:$0x7FF] =	sst s2;
	s8 =	sshll.u32 s6, $0xA;
	s6 =	ssub.s32 $0x2, s6  }
0x8: {  	_ =	strace $0x80000047;
	s7 =	sor.u32 s8, s7;
	s31 =	sshrl.u32 s6, $0x1  }
0x9: {  	s8 =	simm.s32 $0x2000;
	s3 =	sadd.s32 s7, s3;
	s6 =	ssub.s32 s6, s31  }
0xa: {  	s4 =	sadd.s32 s4, s7;
	s7 =	sshrl.u32 s7, $0x2;
	s3 =	sadd.s32 $0xC00, s3  }
0xb: {  	s5 =	sadd.s32 s5, s7;
	s6 =	smax.u32 s6, $0x1;
	s7 =	simm.s32 $0x1  }
.LBB2_1:
0xc: {  	[tilespmem:s2], [sflag:$0x1] =	stream.linear.gather [hbm4b:s3+s2], $0x2000, $0x38;
	[tilespmem:$0x4800] =	vst v63  }
0xd: {  	s16 =	sand.u32 $0x40, s2;
	_ =	swait.ge [sflag:s7], $0x2000  }
0xe: {  	s20 =	sand.u32 $0x7FFFFC00, s2;
	s15 =	sor.u32 $0x30, s16;
	[sflag:s7] =	ssyncset.done $0x0  }
0xf: {  	s18 =	sor.u32 s20, s15;
	[sflag:s7] =	ssyncadd.s32 $0xFFFFE000  }
0x10: {  	v0 =	vld [tilespmem:s18+$0x0]  }
0x11: {  	v1 =	vld [tilespmem:s18+$0x80]  }
0x12: {  	v2 =	vld [tilespmem:s18+$0x100]  }
0x13: {  	v3 =	vld [tilespmem:s18+$0x180]  }
0x14: {  	v4 =	vld [tilespmem:s18+$0x200]  }
0x15: {  	v5 =	vld [tilespmem:s18+$0x280]  }
0x16: {  	v6 =	vld [tilespmem:s18+$0x300];
	v7 =	vmax.f32 v0, v1  }
0x17: {  	v8 =	vld [tilespmem:s18+$0x380];
	v7 =	vmax.f32 v7, v2  }
0x18: {  	v7 =	vmax.f32 v7, v3  }
0x19: {  	s17 =	sor.u32 $0x10, s16;
	v7 =	vmax.f32 v7, v4  }
0x1a: {  	s13 =	sor.u32 s20, s17;
	v7 =	vmax.f32 v7, v5  }
0x1b: {  	s19 =	sor.u32 $0x20, s16;
	v10 =	vld [tilespmem:s13+$0x0];
	v7 =	vmax.f32 v7, v6  }
0x1c: {  	s12 =	sor.u32 s20, s19;
	v11 =	vld [tilespmem:s13+$0x80];
	v15 =	vmax.f32 v7, v8  }
0x1d: {  	v12 =	vld [tilespmem:s12+$0x0];
	vm0 =	veq.f32 v1, v15  }
0x1e: {  	s11 =	sor.u32 s16, s20;
	v13 =	vld [tilespmem:s12+$0x80];
	v1 =	vsel vm0, $0xFF800000, v1  }
0x1f: {  	v14 =	vld [tilespmem:s11+$0x0];
	vm0 =	veq.f32 v0, v15;
	v0 =	vmax.f32 v0, v1  }
0x20: {  	v16 =	vld [tilespmem:s11+$0x80];
	v0 =	vsel vm0, v1, v0  }
0x21: {  	v17 =	vld [tilespmem:s13+$0x100];
	vm0 =	veq.f32 v2, v15;
	v1 =	vmax.f32 v0, v2  }
0x22: {  	v18 =	vld [tilespmem:s12+$0x100];
	v0 =	vsel vm0, v0, v1  }
0x23: {  	v19 =	vld [tilespmem:s11+$0x100];
	vm0 =	veq.f32 v3, v15;
	v1 =	vmax.f32 v0, v3  }
0x24: {  	v20 =	vld [tilespmem:s13+$0x180];
	v0 =	vsel vm0, v0, v1  }
0x25: {  	v21 =	vld [tilespmem:s12+$0x180];
	vm0 =	veq.f32 v4, v15;
	v1 =	vmax.f32 v0, v4  }
0x26: {  	v22 =	vld [tilespmem:s11+$0x180];
	v0 =	vsel vm0, v0, v1  }
0x27: {  	v23 =	vld [tilespmem:s13+$0x200];
	vm0 =	veq.f32 v5, v15;
	v1 =	vmax.f32 v0, v5  }
0x28: {  	v24 =	vld [tilespmem:s12+$0x200];
	v1 =	vsel vm0, v0, v1  }
0x29: {  	v25 =	vld [tilespmem:s11+$0x200];
	vm0 =	veq.f32 v6, v15;
	v2 =	vmax.f32 v1, v6  }
0x2a: {  	v26 =	vld [tilespmem:s13+$0x280];
	v2 =	vsel vm0, v1, v2  }
0x2b: {  	v9 =	vld [tilespmem:s11+$0x280];
	vm0 =	veq.f32 v8, v15;
	v6 =	vmax.f32 v2, v8  }
0x2c: {  	s14 =	sor.u32 s2, s2;
	v27 =	vld [tilespmem:s11+$0x300];
	v4 =	vmax.f32 v10, v11;
	v8 =	vsel vm0, v2, v6  }
0x2d: {  	s14 =	sor.u32 $0x380, s14;
	v4 =	vmax.f32 v4, v17;
	v0 =	vld [tilespmem:s13+$0x300];
	v6 =	vsub.f32 v8, v15  }
0x2e: {  	v29 =	vld [tilespmem:s14+$0x0];
	v4 =	vmax.f32 v4, v20  }
0x2f: {  	v3 =	vld [tilespmem:s12+$0x280];
	v5 =	vmax.f32 v12, v13;
	v4 =	vmax.f32 v4, v23;
	v6 =	vmul.f32 $1.442695020e+00, v6  }
0x30: {  	v7 =	vmax.f32 v14, v16;
	v4 =	vmax.f32 v4, v26;
	v1 =	vld [tilespmem:s12+$0x300];
	v2 =	vmax.f32 v5, v18  }
0x31: {  	v5 =	vmax.f32 v7, v19;
	v7 =	vld [tilespmem:s13+$0x380];
	v2 =	vmax.f32 v2, v21;
	(erf) = vpow2.f32 v6  }
0x32: {  	v28 =	vld [tilespmem:s12+$0x380];
	v5 =	vmax.f32 v5, v22;
	v4 =	vmax.f32 v4, v0;
	v42 =	vand.u32 $0x7, v8  }
0x33: {  	vm3 =	vlt.s32 v8, $0x0;
	v5 =	vmax.f32 v5, v25;
	v8 =	vxor.u32 $0x7, v42  }
0x34: {  	v2 =	vmax.f32 v2, v24;
	v5 =	vmax.f32 v5, v9;
	v8 =	vsel vm3, v42, v8  }
0x35: {  	v2 =	vmax.f32 v2, v3;
	v5 =	vmax.f32 v5, v27;
	vm5 =	veq.s32 v8, $0x0  }
0x36: {  	v6 =	vmax.f32 v2, v1;
	v2 =	vmax.f32 v4, v7;
	v5 =	vmax.f32 v5, v29  }
0x37: {  	vm0 =	veq.f32 v10, v2;
	vm1 =	veq.f32 v11, v2;
	v4 =	vmax.f32 v6, v28  }
0x38: {  	vm2 =	veq.f32 v16, v5;
	v57 =	vand.u32 $0x7, v2;
	v6 =	vsel vm1, $0xFF800000, v11  }
0x39: {  	vm1 =	veq.f32 v13, v4;
	v62 =	vsel vm2, $0xFF800000, v16;
	vm2 =	veq.f32 v14, v5  }
0x3a: {  	v10 =	vmax.f32 v10, v6;
	v11 =	vsel vm1, $0xFF800000, v13;
	vm1 =	veq.f32 v12, v4;
	v30 =	vpop (erf)  }
0x3b: {  	v14 =	vmax.f32 v14, v62;
	v12 =	vmax.f32 v12, v11;
	v31 =	vadd.f32 $1.000000000e+00, v30  }
0x3c: {  	v6 =	vsel vm0, v6, v10;
	v10 =	vsel vm2, v62, v14;
	vm0 =	veq.f32 v17, v2  }
0x3d: {  	vm2 =	veq.f32 v22, v5;
	v63 =	vmax.f32 v6, v17;
	(erf) = vrcp.f32 v31  }
0x3e: {  	v11 =	vsel vm1, v11, v12;
	v16 =	vmax.f32 v10, v19;
	vm1 =	veq.f32 v19, v5  }
0x3f: {  	v17 =	vmax.f32 v11, v18;
	v6 =	vsel vm0, v6, v63;
	vm0 =	veq.f32 v18, v4  }
0x40: {  	v10 =	vsel vm1, v10, v16;
	vm1 =	veq.f32 v21, v4;
	v11 =	vsel vm0, v11, v17  }
0x41: {  	v32 =	vmax.f32 v10, v22;
	v33 =	vmax.f32 v6, v20;
	vm0 =	veq.f32 v20, v2  }
0x42: {  	v34 =	vmax.f32 v11, v21;
	v6 =	vsel vm0, v6, v33;
	v10 =	vsel vm2, v10, v32  }
0x43: {  	vm0 =	veq.f32 v23, v2;
	vm2 =	veq.f32 v25, v5;
	v11 =	vsel vm1, v11, v34  }
0x44: {  	v35 =	vmax.f32 v6, v23;
	v37 =	vmax.f32 v10, v25;
	vm1 =	veq.f32 v24, v4  }
0x45: {  	v36 =	vmax.f32 v11, v24;
	v12 =	vsel vm0, v6, v35;
	v10 =	vsel vm2, v10, v37  }
0x46: {  	v6 =	vand.u32 $0x7, v15;
	vm0 =	veq.f32 v26, v2;
	v11 =	vsel vm1, v11, v36;
	v43 =	vpop (erf)  }
0x47: {  	vm1 =	vlt.s32 v15, $0x0;
	v40 =	vxor.u32 $0x7, v6;
	v13 =	vmul.f32 v43, v30  }
0x48: {  	v38 =	vmax.f32 v12, v26;
	v41 =	vmax.f32 v10, v9;
	v6 =	vsel vm1, v6, v40  }
0x49: {  	v39 =	vmax.f32 v11, v3;
	vm1 =	veq.s32 v6, $0x0;
	v44 =	vnsel vm5, $0x0, v13  }
0x4a: {  	vm2 =	veq.s32 v6, $0x1;
	v15 =	vsel vm1, v43, v44;
	vm1 =	veq.s32 v8, $0x2  }
0x4b: {  	vm3 =	veq.s32 v6, $0x3;
	v46 =	vnsel vm1, $0x0, v13;
	vm1 =	veq.s32 v8, $0x3  }
0x4c: {  	vm5 =	veq.s32 v8, $0x1;
	v47 =	vnsel vm1, $0x0, v13;
	vm1 =	veq.s32 v8, $0x4  }
0x4d: {  	v45 =	vnsel vm5, $0x0, v13;
	v48 =	vnsel vm1, $0x0, v13;
	vm1 =	veq.s32 v8, $0x5  }
0x4e: {  	v19 =	vsel vm2, v43, v45;
	v49 =	vnsel vm1, $0x0, v13;
	vm1 =	veq.s32 v8, $0x6  }
0x4f: {  	vm2 =	veq.s32 v6, $0x7;
	v50 =	vnsel vm1, $0x0, v13;
	vm1 =	veq.s32 v8, $0x7  }
0x50: {  	v21 =	vsel vm3, v43, v47;
	vm3 =	veq.f32 v3, v4;
	v13 =	vnsel vm1, $0x0, v13  }
0x51: {  	vm1 =	veq.f32 v9, v5;
	v9 =	vsel vm0, v12, v38;
	vm0 =	veq.f32 v27, v5  }
0x52: {  	v13 =	vsel vm2, v43, v13;
	v3 =	vsel vm1, v10, v41;
	v10 =	vsel vm3, v11, v39  }
0x53: {  	v12 =	vmax.f32 v9, v0;
	vm1 =	veq.f32 v0, v2;
	vm2 =	veq.f32 v1, v4  }
0x54: {  	v11 =	vmax.f32 v3, v27;
	v51 =	vmax.f32 v10, v1;
	v1 =	vsel vm1, v9, v12  }
0x55: {  	vm1 =	veq.f32 v7, v2;
	v0 =	vsel vm0, v3, v11;
	v3 =	vsel vm2, v10, v51  }
0x56: {  	v10 =	vmax.f32 v1, v7;
	vm0 =	veq.f32 v29, v5;
	vm2 =	veq.f32 v28, v4  }
0x57: {  	v9 =	vmax.f32 v0, v29;
	v11 =	vmax.f32 v3, v28;
	v1 =	vsel vm1, v1, v10  }
0x58: {  	v0 =	vsel vm0, v0, v9;
	v3 =	vsel vm2, v3, v11;
	v7 =	vand.u32 $0x7, v1  }
0x59: {  	v9 =	vsub.f32 v1, v2;
	vm0 =	vlt.s32 v1, $0x0;
	v53 =	vand.u32 $0x7, v3  }
0x5a: {  	v54 =	vxor.u32 $0x7, v7;
	vm1 =	vlt.s32 v3, $0x0;
	v56 =	vxor.u32 $0x7, v53  }
0x5b: {  	v10 =	vsub.f32 v3, v4;
	v3 =	vsel vm0, v7, v54;
	v1 =	vsel vm1, v53, v56  }
0x5c: {  	vm1 =	vlt.s32 v2, $0x0;
	vm3 =	veq.s32 v3, $0x5;
	v2 =	vimm.s32 $0x0  }
0x5d: {  	v2 =	vsel vm3, $0xFFFFFFFF, v2  }
0x5e: {  	vm3 =	veq.s32 v3, $0x6;
	[tilespmem:$0x1FE80] =	vst v2;
	v2 =	vimm.s32 $0x0  }
0x5f: {  	v2 =	vsel vm3, $0xFFFFFFFF, v2  }
0x60: {  	vm3 =	veq.s32 v3, $0x7;
	[tilespmem:$0x1FE90] =	vst v2;
	v2 =	vimm.s32 $0x0  }
0x61: {  	v2 =	vsel vm3, $0xFFFFFFFF, v2  }
0x62: {  	vm3 =	veq.s32 v1, $0x0;
	[tilespmem:$0x1FEA0] =	vst v2;
	v2 =	vimm.s32 $0x0  }
0x63: {  	v52 =	vsub.f32 v0, v5;
	v9 =	vmul.f32 $1.442695020e+00, v9;
	v2 =	vsel vm3, $0xFFFFFFFF, v2  }
0x64: {  	v10 =	vmul.f32 $1.442695020e+00, v10;
	vm3 =	veq.s32 v1, $0x1;
	[tilespmem:$0x1FEB0] =	vst v2;
	v2 =	vimm.s32 $0x0  }
0x65: {  	v12 =	vmul.f32 $1.442695020e+00, v52;
	(erf) = vpow2.f32 v9;
	v2 =	vsel vm3, $0xFFFFFFFF, v2  }
0x66: {  	(erf) = vpow2.f32 v10;
	vm3 =	veq.s32 v1, $0x2;
	[tilespmem:$0x1FEC0] =	vst v2;
	v2 =	vimm.s32 $0x0  }
0x67: {  	v61 =	vimm.s32 $0x0;
	v2 =	vsel vm3, $0xFFFFFFFF, v2  }
0x68: {  	(erf) = vpow2.f32 v12;
	vm3 =	veq.s32 v1, $0x3;
	[tilespmem:$0x1FED0] =	vst v2;
	v2 =	vimm.s32 $0x0  }
0x69: {  	v58 =	vand.u32 $0x7, v4;
	v11 =	vand.u32 $0x7, v0;
	v2 =	vsel vm3, $0xFFFFFFFF, v2  }
0x6a: {  	v10 =	vand.u32 $0x7, v5;
	vm3 =	veq.s32 v1, $0x4;
	[tilespmem:$0x1FEE0] =	vst v2;
	v2 =	vimm.s32 $0x0  }
0x6b: {  	vm0 =	vlt.s32 v5, $0x0;
	v7 =	vxor.u32 $0x7, v10;
	v2 =	vsel vm3, $0xFFFFFFFF, v2  }
0x6c: {  	v5 =	vimm.s32 $0x0;
	[tilespmem:$0x1FEF0] =	vst v2;
	v2 =	vsel vm0, v10, v7;
	vm0 =	veq.s32 v1, $0x5  }
0x6d: {  	vm2 =	vlt.s32 v0, $0x0;
	v55 =	vxor.u32 $0x7, v11;
	v5 =	vsel vm0, $0xFFFFFFFF, v5  }
0x6e: {  	v63 =	vimm.s32 $0x0;
	v0 =	vsel vm2, v11, v55;
	v11 =	vpop (erf);
	vm0 =	veq.s32 v1, $0x6;
	[tilespmem:$0x1FF00] =	vst v5  }
0x6f: {  	vm2 =	vlt.s32 v4, $0x0;
	v4 =	vadd.f32 $1.000000000e+00, v11;
	v9 =	vpop (erf);
	v12 =	vsel vm0, $0xFFFFFFFF, v61;
	[tilespmem:s18+$0x2000] =	vst v15  }
0x70: {  	vm4 =	veq.s32 v6, $0x2;
	v10 =	vadd.f32 $1.000000000e+00, v9;
	vm0 =	veq.s32 v1, $0x7;
	[tilespmem:$0x1FF10] =	vst v12  }
0x71: {  	v20 =	vsel vm4, v43, v46;
	v7 =	vpop (erf);
	(erf) = vrcp.f32 v4;
	v14 =	vsel vm0, $0xFFFFFFFF, v63;
	[tilespmem:s18+$0x2080] =	vst v19  }
0x72: {  	(erf) = vrcp.f32 v10;
	v10 =	vimm.s32 $0x0;
	vm0 =	veq.s32 v0, $0x0;
	[tilespmem:$0x1FF20] =	vst v14  }
0x73: {  	v10 =	vsel vm0, $0xFFFFFFFF, v10;
	[tilespmem:s18+$0x2100] =	vst v20  }
0x74: {  	vm0 =	veq.s32 v0, $0x1;
	[tilespmem:$0x1FF30] =	vst v10;
	v10 =	vimm.s32 $0x0  }
0x75: {  	v10 =	vsel vm0, $0xFFFFFFFF, v10  }
0x76: {  	vm0 =	veq.s32 v0, $0x2;
	[tilespmem:$0x1FF40] =	vst v10;
	v10 =	vimm.s32 $0x0  }
0x77: {  	[tilespmem:s18+$0x2180] =	vst v21;
	v10 =	vsel vm0, $0xFFFFFFFF, v10  }
0x78: {  	vm0 =	veq.s32 v0, $0x3;
	[tilespmem:$0x1FF50] =	vst v10;
	v10 =	vimm.s32 $0x0  }
0x79: {  	v10 =	vsel vm0, $0xFFFFFFFF, v10  }
0x7a: {  	vm0 =	veq.s32 v0, $0x4;
	[tilespmem:$0x1FF60] =	vst v10;
	v10 =	vimm.s32 $0x0  }
0x7b: {  	vm6 =	veq.s32 v6, $0x4;
	v10 =	vsel vm0, $0xFFFFFFFF, v10  }
0x7c: {  	v22 =	vsel vm6, v43, v48;
	vm0 =	veq.s32 v0, $0x5;
	[tilespmem:$0x1FF70] =	vst v10;
	v10 =	vimm.s32 $0x0  }
0x7d: {  	[tilespmem:s18+$0x2200] =	vst v22;
	v10 =	vsel vm0, $0xFFFFFFFF, v10  }
0x7e: {  	vm0 =	veq.s32 v0, $0x6;
	[tilespmem:$0x1FF80] =	vst v10;
	v10 =	vimm.s32 $0x0  }
0x7f: {  	v10 =	vsel vm0, $0xFFFFFFFF, v10  }
0x80: {  	vm0 =	veq.s32 v0, $0x7;
	[tilespmem:$0x1FF90] =	vst v10;
	v10 =	vimm.s32 $0x0  }
0x81: {  	vm7 =	veq.s32 v6, $0x5;
	v10 =	vsel vm0, $0xFFFFFFFF, v10  }
0x82: {  	vm8 =	veq.s32 v6, $0x6;
	v23 =	vsel vm7, v43, v49;
	[tilespmem:$0x1FFA0] =	vst v10  }
0x83: {  	s20 =	sshrl.u32 s20, $0x2;
	v24 =	vsel vm8, v43, v50;
	[tilespmem:s18+$0x2280] =	vst v23  }
0x84: {  	s20 =	sadd.s32 $0x4000, s20;
	v60 =	vxor.u32 $0x7, v58;
	[tilespmem:s18+$0x2300] =	vst v24  }
0x85: {  	s21 =	sor.u32 s15, s20;
	v4 =	vsel vm2, v58, v60;
	[tilespmem:s18+$0x2380] =	vst v13  }
0x86: {  	vm7 =	veq.s32 v4, $0x2;
	[tilespmem:s21+$0x80] =	vst v8;
	v8 =	vimm.s32 $0x0  }
0x87: {  	v59 =	vxor.u32 $0x7, v57;
	v8 =	vsel vm7, $0xFFFFFFFF, v8  }
0x88: {  	vm13 =	veq.s32 v3, $0x0;
	vm7 =	veq.s32 v4, $0x3;
	[tilespmem:$0x1FFB0] =	vst v8;
	v8 =	vimm.s32 $0x0  }
0x89: {  	vm14 =	veq.s32 v3, $0x1;
	vm12 =	veq.s32 v3, $0x2;
	v8 =	vsel vm7, $0xFFFFFFFF, v8  }
0x8a: {  	vm11 =	veq.s32 v3, $0x3;
	vm9 =	veq.s32 v3, $0x4;
	v62 =	vadd.f32 $1.000000000e+00, v7;
	[tilespmem:$0x1FFC0] =	vst v8  }
0x8b: {  	vm10 =	veq.s32 v4, $0x0;
	vm7 =	veq.s32 v4, $0x4;
	[tilespmem:s21+$0x0] =	vst v6;
	v6 =	vimm.s32 $0x0  }
0x8c: {  	vm8 =	veq.s32 v4, $0x1;
	v5 =	vsel vm1, v57, v59;
	v6 =	vsel vm7, $0xFFFFFFFF, v6  }
0x8d: {  	(erf) = vrcp.f32 v62;
	vm7 =	veq.s32 v4, $0x5;
	[tilespmem:$0x1FFD0] =	vst v6;
	v6 =	vimm.s32 $0x0  }
0x8e: {  	vm6 =	veq.s32 v5, $0x0;
	vm5 =	veq.s32 v5, $0x1;
	v6 =	vsel vm7, $0xFFFFFFFF, v6  }
0x8f: {  	vm4 =	veq.s32 v5, $0x2;
	vm7 =	veq.s32 v4, $0x6;
	[tilespmem:$0x1FFE0] =	vst v6;
	v6 =	vimm.s32 $0x0  }
0x90: {  	s15 =	simm.s32 $0x0;
	s26 =	sor.u32 s17, s20;
	s19 =	sor.u32 s19, s20;
	vm3 =	veq.s32 v5, $0x3;
	vm2 =	veq.s32 v5, $0x4;
	v6 =	vsel vm7, $0xFFFFFFFF, v6  }
0x91: {  	s17 =	simm.s32 $0x0;
	vm15 =	veq.s32 v5, $0x5;
	vm1 =	veq.s32 v5, $0x6;
	vm0 =	veq.s32 v5, $0x7;
	s18 =	sor.u32 s16, s20;
	s16 =	simm.s32 $0x40;
	v10 =	vpop (erf);
	[tilespmem:$0x1FFF0] =	vst v6  }
.LBB2_2:
0x92: {  	v48 =	vld [tilespmem:$0x1FE80]  }
0x93: {  	vm7 =	veq.s32 v2, $0x0;
	v19 =	vimm.s32 $0x0;
	v11 =	vmul.f32 v10, v11;
	v49 =	vld [tilespmem:$0x1FE90]  }
0x94: {  	v17 =	vimm.s32 $0x0;
	v50 =	vld [tilespmem:$0x1FEA0];
	v18 =	vsel vm7, $0xFFFFFFFF, v19;
	vm7 =	veq.s32 v4, $0x7  }
0x95: {  	v15 =	vimm.s32 $0x0;
	v16 =	vsel vm7, $0xFFFFFFFF, v17;
	vm7 =	veq.s32 v2, $0x1  }
0x96: {  	v13 =	vimm.s32 $0x0;
	v14 =	vsel vm7, $0xFFFFFFFF, v15;
	vm7 =	veq.s32 v2, $0x2  }
0x97: {  	v59 =	vnsel vm13, $0x0, v11;
	v12 =	vsel vm7, $0xFFFFFFFF, v13;
	vm7 =	vnez.u8 v48  }
0x98: {  	v60 =	vnsel vm14, $0x0, v11;
	v29 =	vnsel vm7, $0x0, v11;
	vm7 =	vnez.u8 v49  }
0x99: {  	v61 =	vnsel vm12, $0x0, v11;
	v30 =	vnsel vm7, $0x0, v11;
	vm7 =	vnez.u8 v50  }
0x9a: {  	v62 =	vnsel vm11, $0x0, v11;
	v63 =	vnsel vm9, $0x0, v11;
	v31 =	vnsel vm7, $0x0, v11;
	v11 =	vld [tilespmem:$0x1FEB0];
	_ =	sdelay $0x4  }
0x9b: {  	vm7 =	vnez.u8 v11;
	v11 =	vld [tilespmem:$0x1FEC0];
	_ =	sdelay $0x1  }
0x9c: {  	v8 =	vpop (erf)  }
0x9d: {  	v9 =	vmul.f32 v8, v9;
	_ =	sdelay $0x1  }
0x9e: {  	v35 =	vnsel vm7, $0x0, v9;
	vm7 =	vnez.u8 v11;
	v11 =	vld [tilespmem:$0x1FED0];
	_ =	sdelay $0x4  }
0x9f: {  	v36 =	vnsel vm7, $0x0, v9;
	vm7 =	vnez.u8 v11;
	v11 =	vld [tilespmem:$0x1FEE0];
	_ =	sdelay $0x4  }
0xa0: {  	v37 =	vnsel vm7, $0x0, v9;
	vm7 =	vnez.u8 v11;
	v11 =	vld [tilespmem:$0x1FEF0];
	_ =	sdelay $0x4  }
0xa1: {  	v39 =	vnsel vm7, $0x0, v9;
	vm7 =	vnez.u8 v11;
	v11 =	vld [tilespmem:$0x1FF00];
	_ =	sdelay $0x4  }
0xa2: {  	v40 =	vnsel vm7, $0x0, v9;
	vm7 =	vnez.u8 v11;
	v11 =	vld [tilespmem:$0x1FF30];
	_ =	sdelay $0x4  }
0xa3: {  	v41 =	vnsel vm7, $0x0, v9;
	vm7 =	vnez.u8 v11;
	v11 =	vld [tilespmem:$0x1FF10];
	_ =	sdelay $0x1  }
0xa4: {  	v6 =	vpop (erf)  }
0xa5: {  	v7 =	vmul.f32 v6, v7;
	_ =	sdelay $0x1  }
0xa6: {  	v34 =	vnsel vm7, $0x0, v7;
	vm7 =	vnez.u8 v11;
	v11 =	vld [tilespmem:$0x1FF20];
	_ =	sdelay $0x1  }
0xa7: {  	v51 =	vld [tilespmem:$0x1FF50]  }
0xa8: {  	v52 =	vld [tilespmem:$0x1FF60]  }
0xa9: {  	v54 =	vld [tilespmem:$0x1FF70]  }
0xaa: {  	v43 =	vnsel vm7, $0x0, v9;
	vm7 =	vnez.u8 v11;
	v11 =	vld [tilespmem:$0x1FF40]  }
0xab: {  	s20 =	sand.u32 $0x40, s16;
	s17 =	sadd.s32 $0x200, s17;
	v55 =	vld [tilespmem:$0x1FF80]  }
0xac: {  	v57 =	vld [tilespmem:$0x1FF90];
	s25 =	sand.u32 $0x7FFFFC00, s17;
	s21 =	sor.u32 $0x30, s20  }
0xad: {  	v58 =	vld [tilespmem:$0x1FFA0];
	s24 =	sor.u32 s25, s21  }
0xae: {  	v20 =	vld [tilespmem:s24+$0x0]  }
0xaf: {  	v28 =	vld [tilespmem:s24+$0x80];
	v9 =	vnsel vm7, $0x0, v9;
	vm7 =	vnez.u8 v11  }
0xb0: {  	v33 =	vld [tilespmem:s24+$0x100];
	v11 =	vnsel vm7, $0x0, v7;
	vm7 =	vnez.u8 v51  }
0xb1: {  	v38 =	vld [tilespmem:s24+$0x180];
	v26 =	vnsel vm7, $0x0, v7;
	vm7 =	vnez.u8 v52  }
0xb2: {  	v42 =	vld [tilespmem:s24+$0x200];
	v27 =	vnsel vm7, $0x0, v7;
	vm7 =	vnez.u8 v54  }
0xb3: {  	[tilespmem:$0x1FE50] =	vst v18;
	v44 =	vld [tilespmem:s24+$0x280];
	v24 =	vnsel vm7, $0x0, v7;
	vm7 =	vnez.u8 v55  }
0xb4: {  	s22 =	sor.u32 $0x10, s20;
	[tilespmem:$0x1FE40] =	vst v16;
	v45 =	vld [tilespmem:s24+$0x300];
	v53 =	vmax.f32 v20, v28;
	v21 =	vnsel vm7, $0x0, v7;
	vm7 =	vnez.u8 v57  }
0xb5: {  	s31 =	sor.u32 s25, s22;
	v46 =	vld [tilespmem:s24+$0x380];
	[tilespmem:$0x1FE60] =	vst v14;
	v56 =	vmax.f32 v53, v33;
	v25 =	vnsel vm7, $0x0, v7;
	vm7 =	vnez.u8 v58  }
0xb6: {  	s23 =	sor.u32 $0x20, s20;
	v17 =	vld [tilespmem:s31+$0x80];
	[tilespmem:$0x1FE70] =	vst v12;
	v12 =	vsel vm6, v10, v59;
	v22 =	vnsel vm7, $0x0, v7;
	v7 =	vmax.f32 v56, v38  }
0xb7: {  	s30 =	sor.u32 s25, s23;
	v14 =	vld [tilespmem:s31+$0x0];
	v59 =	vsel vm5, v10, v60;
	[tilespmem:s13+$0x2000] =	vst v12;
	v7 =	vmax.f32 v7, v42  }
0xb8: {  	v15 =	vld [tilespmem:s30+$0x0];
	v60 =	vsel vm4, v10, v61;
	[tilespmem:s13+$0x2080] =	vst v59;
	v7 =	vmax.f32 v7, v44  }
0xb9: {  	v23 =	vld [tilespmem:s30+$0x80];
	v61 =	vsel vm3, v10, v62;
	[tilespmem:s13+$0x2100] =	vst v60;
	v7 =	vmax.f32 v7, v45  }
0xba: {  	s28 =	sor.u32 s20, s25;
	v47 =	vsel vm2, v10, v63;
	v18 =	vld [tilespmem:s31+$0x100];
	[tilespmem:s13+$0x2180] =	vst v61;
	v7 =	vmax.f32 v7, v46  }
0xbb: {  	v16 =	vld [tilespmem:s28+$0x0];
	v62 =	vsel vm15, v10, v29;
	[tilespmem:s13+$0x2200] =	vst v47;
	vm2 =	veq.f32 v28, v7  }
0xbc: {  	v32 =	vld [tilespmem:s28+$0x80];
	v63 =	vsel vm1, v10, v30;
	[tilespmem:s13+$0x2280] =	vst v62;
	v28 =	vsel vm2, $0xFF800000, v28  }
0xbd: {  	v10 =	vsel vm0, v10, v31;
	vm0 =	veq.f32 v20, v7;
	v52 =	vmax.f32 v20, v28;
	v20 =	vld [tilespmem:s31+$0x180]  }
0xbe: {  	[tilespmem:s13+$0x2380] =	vst v10;
	v10 =	vld [tilespmem:$0x1FFC0]  }
0xbf: {  	v19 =	vld [tilespmem:s30+$0x100];
	[tilespmem:s13+$0x2300] =	vst v63;
	v12 =	vsel vm0, v28, v52  }
0xc0: {  	v13 =	vld [tilespmem:s28+$0x280];
	s13 =	smov.u32 s31;
	vm0 =	veq.f32 v33, v7;
	[tilespmem:s26+$0x0] =	vst v5;
	v28 =	vmax.f32 v12, v33  }
0xc1: {  	v12 =	vsel vm0, v12, v28;
	v28 =	vld [tilespmem:s13+$0x200]  }
0xc2: {  	v48 =	vmax.f32 v14, v17;
	[tilespmem:s26+$0x80] =	vst v3;
	v3 =	vld [tilespmem:$0x1FFD0]  }
0xc3: {  	v29 =	vld [tilespmem:s30+$0x180];
	vm0 =	vnez.u8 v10;
	v10 =	vmax.f32 v48, v18  }
0xc4: {  	vm13 =	veq.s32 v2, $0x3;
	v60 =	vmax.f32 v10, v20;
	v10 =	vld [tilespmem:$0x1FFE0]  }
0xc5: {  	vm9 =	veq.s32 v2, $0x5;
	vm11 =	veq.s32 v2, $0x6;
	v50 =	vld [tilespmem:$0x1FE40];
	v53 =	vsel vm10, v8, v35  }
0xc6: {  	v30 =	vld [tilespmem:s28+$0x100];
	v39 =	vsel vm0, v8, v39;
	vm0 =	veq.f32 v38, v7;
	v38 =	vmax.f32 v12, v38  }
0xc7: {  	v55 =	vsel vm8, v8, v36;
	v56 =	vld [tilespmem:$0x1FFB0];
	v12 =	vsel vm0, v12, v38;
	vm0 =	vnez.u8 v3  }
0xc8: {  	v35 =	vld [tilespmem:s30+$0x200];
	v59 =	vmax.f32 v12, v42;
	v3 =	vsel vm0, v8, v40;
	vm0 =	veq.f32 v42, v7  }
0xc9: {  	v36 =	vld [tilespmem:s28+$0x200];
	v57 =	vmax.f32 v16, v32;
	v12 =	vsel vm0, v12, v59;
	vm0 =	vnez.u8 v10  }
0xca: {  	v62 =	vmax.f32 v12, v44;
	v61 =	vsel vm0, v8, v41;
	vm0 =	veq.f32 v44, v7;
	v44 =	vld [tilespmem:$0x1FFF0]  }
0xcb: {  	vm12 =	veq.s32 v2, $0x7;
	v54 =	vmax.f32 v15, v23;
	v58 =	vmax.f32 v57, v30;
	v57 =	vld [tilespmem:$0x1FE70]  }
0xcc: {  	[tilespmem:s12+$0x2000] =	vst v53;
	v27 =	vsel vm13, v6, v27;
	v21 =	vsel vm9, v6, v21;
	vm1 =	vnez.u8 v56;
	v56 =	vld [tilespmem:$0x1FE60]  }
0xcd: {  	[tilespmem:s12+$0x2080] =	vst v55;
	vm7 =	veq.s32 v2, $0x4;
	v37 =	vsel vm1, v8, v37;
	v5 =	vmax.f32 v54, v19;
	v54 =	vld [tilespmem:$0x1FE50]  }
0xce: {  	v25 =	vsel vm11, v6, v25;
	v24 =	vsel vm7, v6, v24;
	v22 =	vsel vm12, v6, v22;
	[tilespmem:s12+$0x2100] =	vst v37;
	v33 =	vld [tilespmem:s28+$0x180]  }
0xcf: {  	v5 =	vmax.f32 v5, v29;
	v10 =	vld [tilespmem:s30+$0x280];
	[tilespmem:s12+$0x2180] =	vst v39;
	v12 =	vsel vm0, v12, v62;
	vm0 =	vnez.u8 v44  }
0xd0: {  	v31 =	vld [tilespmem:s13+$0x280];
	[tilespmem:s12+$0x2200] =	vst v3;
	v49 =	vmax.f32 v12, v45;
	v47 =	vsel vm0, v8, v43;
	vm0 =	veq.f32 v45, v7  }
0xd1: {  	v5 =	vmax.f32 v5, v35;
	v3 =	vld [tilespmem:s13+$0x300];
	[tilespmem:s12+$0x2280] =	vst v61;
	v41 =	vsel vm0, v12, v49;
	vm0 =	vnez.u8 v50  }
0xd2: {  	v8 =	vsel vm0, v8, v9;
	v9 =	vld [tilespmem:s30+$0x300];
	vm0 =	veq.f32 v46, v7;
	v51 =	vmax.f32 v41, v46;
	[tilespmem:s12+$0x2300] =	vst v47  }
0xd3: {  	v63 =	vmax.f32 v58, v33;
	v12 =	vld [tilespmem:s28+$0x300];
	v53 =	vsel vm0, v41, v51;
	vm0 =	vnez.u8 v54;
	[tilespmem:s12+$0x2380] =	vst v8  }
0xd4: {  	s29 =	sor.u32 s17, s16;
	v48 =	vmax.f32 v60, v28;
	s12 =	smov.u32 s30;
	v8 =	vld [tilespmem:s13+$0x380];
	v34 =	vsel vm0, v6, v34;
	vm0 =	vnez.u8 v56;
	[tilespmem:s19+$0x0] =	vst v4  }
0xd5: {  	s29 =	sor.u32 $0x380, s29;
	v52 =	vmax.f32 v48, v31;
	v55 =	vsub.f32 v53, v7;
	v41 =	vsel vm0, v6, v11;
	v11 =	vld [tilespmem:s12+$0x380]  }
0xd6: {  	v37 =	vmax.f32 v63, v36;
	v5 =	vmax.f32 v5, v10;
	v58 =	vmax.f32 v52, v3;
	[tilespmem:s19+$0x80] =	vst v1;
	v1 =	vld [tilespmem:s29+$0x0]  }
0xd7: {  	v38 =	vand.u32 $0x7, v53;
	vm0 =	vnez.u8 v57;
	v59 =	vmul.f32 $1.442695020e+00, v55  }
0xd8: {  	v4 =	vmax.f32 v37, v13;
	[tilespmem:s11+$0x2000] =	vst v34;
	v40 =	vxor.u32 $0x7, v38;
	v26 =	vsel vm0, v6, v26  }
0xd9: {  	[tilespmem:s11+$0x2180] =	vst v27;
	v60 =	vmax.f32 v4, v12;
	(erf) = vpow2.f32 v59;
	v4 =	vmax.f32 v58, v8  }
0xda: {  	[tilespmem:s11+$0x2200] =	vst v24;
	v5 =	vmax.f32 v5, v9;
	vm0 =	veq.f32 v14, v4;
	vm1 =	veq.f32 v17, v4  }
0xdb: {  	[tilespmem:s11+$0x2280] =	vst v21;
	v5 =	vmax.f32 v5, v11;
	v6 =	vmax.f32 v60, v1;
	v17 =	vsel vm1, $0xFF800000, v17  }
0xdc: {  	[tilespmem:s11+$0x2300] =	vst v25;
	v60 =	vand.u32 $0x7, v4;
	vm1 =	veq.f32 v23, v5;
	vm2 =	veq.f32 v32, v6  }
0xdd: {  	[tilespmem:s11+$0x2080] =	vst v41;
	v14 =	vmax.f32 v14, v17;
	v61 =	vsel vm1, $0xFF800000, v23;
	v62 =	vsel vm2, $0xFF800000, v32  }
0xde: {  	[tilespmem:s11+$0x2100] =	vst v26;
	vm1 =	veq.f32 v15, v5;
	vm2 =	veq.f32 v16, v6;
	v14 =	vsel vm0, v17, v14  }
0xdf: {  	[tilespmem:s14+$0x2000] =	vst v22;
	vm0 =	veq.f32 v18, v4;
	v15 =	vmax.f32 v15, v61;
	v16 =	vmax.f32 v16, v62  }
0xe0: {  	[tilespmem:s18+$0x0] =	vst v2;
	v63 =	vmax.f32 v14, v18;
	v2 =	vsel vm2, v62, v16;
	v15 =	vsel vm1, v61, v15  }
0xe1: {  	vm1 =	veq.f32 v30, v6;
	v14 =	vsel vm0, v14, v63;
	vm0 =	veq.f32 v19, v5  }
0xe2: {  	[tilespmem:s18+$0x80] =	vst v0;
	vm2 =	veq.f32 v33, v6;
	v0 =	vmax.f32 v2, v30;
	v23 =	vmax.f32 v15, v19;
	v24 =	vpop (erf)  }
0xe3: {  	v27 =	vmax.f32 v14, v20;
	v0 =	vsel vm1, v2, v0;
	v25 =	vadd.f32 $1.000000000e+00, v24  }
0xe4: {  	v2 =	vsel vm0, v15, v23;
	vm0 =	veq.f32 v20, v4;
	vm1 =	veq.f32 v29, v5  }
0xe5: {  	v26 =	vmax.f32 v0, v33;
	v30 =	vmax.f32 v2, v29;
	(erf) = vrcp.f32 v25  }
0xe6: {  	v14 =	vsel vm0, v14, v27;
	vm0 =	veq.f32 v28, v4;
	v2 =	vsel vm1, v2, v30  }
0xe7: {  	v0 =	vsel vm2, v0, v26;
	v32 =	vmax.f32 v14, v28;
	vm1 =	veq.f32 v35, v5  }
0xe8: {  	vm2 =	veq.f32 v36, v6;
	v33 =	vmax.f32 v2, v35;
	v34 =	vmax.f32 v0, v36  }
0xe9: {  	v14 =	vsel vm0, v14, v32;
	v35 =	vand.u32 $0x7, v7;
	vm0 =	veq.f32 v31, v4  }
0xea: {  	v2 =	vsel vm1, v2, v33;
	v0 =	vsel vm2, v0, v34;
	v15 =	vmax.f32 v14, v31  }
0xeb: {  	vm1 =	vlt.s32 v7, $0x0;
	v7 =	vxor.u32 $0x7, v35;
	v36 =	vmax.f32 v2, v10  }
0xec: {  	v37 =	vmax.f32 v0, v13;
	v7 =	vsel vm1, v35, v7;
	vm1 =	vlt.s32 v53, $0x0  }
0xed: {  	v55 =	vsel vm0, v14, v15;
	vm0 =	veq.f32 v12, v6;
	vm2 =	veq.s32 v7, $0x0  }
0xee: {  	vm3 =	veq.s32 v7, $0x1;
	vm4 =	veq.s32 v7, $0x2;
	v17 =	vsel vm1, v38, v40;
	v41 =	vpop (erf)  }
0xef: {  	vm5 =	veq.s32 v7, $0x3;
	vm6 =	veq.s32 v7, $0x4;
	v16 =	vmul.f32 v41, v24  }
0xf0: {  	vm7 =	veq.s32 v7, $0x5;
	v14 =	vmax.f32 v55, v3;
	vm1 =	veq.s32 v17, $0x0  }
0xf1: {  	vm8 =	veq.s32 v17, $0x1;
	v42 =	vnsel vm1, $0x0, v16;
	vm1 =	veq.s32 v7, $0x6  }
0xf2: {  	v43 =	vnsel vm8, $0x0, v16;
	v20 =	vsel vm2, v41, v42;
	vm2 =	veq.s32 v17, $0x2  }
0xf3: {  	v44 =	vsel vm3, v41, v43;
	v45 =	vnsel vm2, $0x0, v16;
	vm2 =	veq.s32 v17, $0x3  }
0xf4: {  	vm3 =	veq.f32 v10, v5;
	v47 =	vnsel vm2, $0x0, v16;
	vm2 =	veq.s32 v17, $0x4  }
0xf5: {  	v2 =	vsel vm3, v2, v36;
	v49 =	vnsel vm2, $0x0, v16;
	vm2 =	veq.s32 v17, $0x5  }
0xf6: {  	[tilespmem:s24+$0x2000] =	vst v20;
	v46 =	vsel vm4, v41, v45;
	v51 =	vnsel vm2, $0x0, v16;
	vm2 =	veq.s32 v17, $0x6  }
0xf7: {  	[tilespmem:s24+$0x2080] =	vst v44;
	v56 =	vmax.f32 v2, v9;
	v48 =	vsel vm5, v41, v47;
	v53 =	vnsel vm2, $0x0, v16  }
0xf8: {  	[tilespmem:s24+$0x2100] =	vst v46;
	v50 =	vsel vm6, v41, v49;
	vm2 =	veq.s32 v17, $0x7;
	v54 =	vsel vm1, v41, v53  }
0xf9: {  	[tilespmem:s24+$0x2180] =	vst v48;
	vm1 =	veq.s32 v7, $0x7;
	v16 =	vnsel vm2, $0x0, v16;
	vm2 =	veq.f32 v13, v6  }
0xfa: {  	[tilespmem:s24+$0x2200] =	vst v50;
	v52 =	vsel vm7, v41, v51;
	v10 =	vsel vm1, v41, v16;
	v0 =	vsel vm2, v0, v37  }
0xfb: {  	s14 =	smov.u32 s29;
	s29 =	sshrl.u32 s25, $0x2;
	vm1 =	veq.f32 v3, v4;
	vm2 =	veq.f32 v9, v5;
	[tilespmem:s24+$0x2380] =	vst v10;
	v10 =	vmax.f32 v0, v12  }
0xfc: {  	s30 =	sadd.s32 $0x4000, s29;
	[tilespmem:s24+$0x2280] =	vst v52;
	v3 =	vsel vm1, v55, v14;
	v2 =	vsel vm2, v2, v56;
	vm1 =	veq.f32 v8, v4  }
0xfd: {  	s31 =	sor.u32 s21, s30;
	[tilespmem:s24+$0x2300] =	vst v54;
	vm2 =	veq.f32 v11, v5;
	v0 =	vsel vm0, v0, v10;
	v9 =	vmax.f32 v3, v8  }
0xfe: {  	[tilespmem:s31+$0x0] =	vst v7;
	v10 =	vmax.f32 v2, v11;
	vm0 =	veq.f32 v1, v6;
	v7 =	vmax.f32 v0, v1  }
0xff: {  	v1 =	vsel vm1, v3, v9;
	v2 =	vsel vm2, v2, v10;
	v0 =	vsel vm0, v0, v7  }
0x100: {  	v3 =	vand.u32 $0x7, v1;
	v11 =	vand.u32 $0x7, v2;
	vm0 =	vlt.s32 v1, $0x0  }
0x101: {  	vm1 =	vlt.s32 v2, $0x0;
	v57 =	vxor.u32 $0x7, v3;
	v59 =	vxor.u32 $0x7, v11  }
0x102: {  	v7 =	vsub.f32 v1, v4;
	v3 =	vsel vm0, v3, v57;
	v1 =	vsel vm1, v11, v59  }
0x103: {  	vm1 =	vlt.s32 v4, $0x0;
	v4 =	vimm.s32 $0x0;
	vm3 =	veq.s32 v3, $0x5  }
0x104: {  	v4 =	vsel vm3, $0xFFFFFFFF, v4  }
0x105: {  	vm3 =	veq.s32 v3, $0x6;
	[tilespmem:$0x1FE80] =	vst v4;
	v4 =	vimm.s32 $0x0  }
0x106: {  	v8 =	vsub.f32 v2, v5;
	v4 =	vsel vm3, $0xFFFFFFFF, v4  }
0x107: {  	v9 =	vand.u32 $0x7, v0;
	vm3 =	veq.s32 v3, $0x7;
	[tilespmem:$0x1FE90] =	vst v4;
	v4 =	vimm.s32 $0x0  }
0x108: {  	v10 =	vsub.f32 v0, v6;
	v7 =	vmul.f32 $1.442695020e+00, v7;
	v4 =	vsel vm3, $0xFFFFFFFF, v4  }
0x109: {  	vm2 =	vlt.s32 v0, $0x0;
	vm3 =	veq.s32 v1, $0x0;
	[tilespmem:$0x1FEA0] =	vst v4;
	v4 =	vimm.s32 $0x0  }
0x10a: {  	v8 =	vmul.f32 $1.442695020e+00, v8;
	(erf) = vpow2.f32 v7;
	v4 =	vsel vm3, $0xFFFFFFFF, v4  }
0x10b: {  	v10 =	vmul.f32 $1.442695020e+00, v10;
	vm3 =	veq.s32 v1, $0x1;
	[tilespmem:$0x1FEB0] =	vst v4;
	v4 =	vimm.s32 $0x0  }
0x10c: {  	v58 =	vxor.u32 $0x7, v9;
	(erf) = vpow2.f32 v8;
	v4 =	vsel vm3, $0xFFFFFFFF, v4  }
0x10d: {  	(erf) = vpow2.f32 v10;
	vm3 =	veq.s32 v1, $0x2;
	[tilespmem:$0x1FEC0] =	vst v4;
	v4 =	vimm.s32 $0x0  }
0x10e: {  	v0 =	vsel vm2, v9, v58;
	vm2 =	vlt.s32 v5, $0x0;
	v4 =	vsel vm3, $0xFFFFFFFF, v4  }
0x10f: {  	v8 =	vand.u32 $0x7, v5;
	vm3 =	veq.s32 v1, $0x3;
	[tilespmem:$0x1FED0] =	vst v4;
	v4 =	vimm.s32 $0x0  }
0x110: {  	v5 =	vimm.s32 $0x0;
	v4 =	vsel vm3, $0xFFFFFFFF, v4;
	vm3 =	veq.s32 v1, $0x4  }
0x111: {  	v2 =	vand.u32 $0x7, v6;
	v5 =	vsel vm3, $0xFFFFFFFF, v5  }
0x112: {  	vm0 =	vlt.s32 v6, $0x0;
	vm3 =	veq.s32 v1, $0x5;
	[tilespmem:$0x1FEF0] =	vst v5;
	v5 =	vimm.s32 $0x0  }
0x113: {  	v6 =	vimm.s32 $0x0;
	v11 =	vpop (erf);
	v5 =	vsel vm3, $0xFFFFFFFF, v5;
	vm3 =	veq.s32 v1, $0x6  }
0x114: {  	[tilespmem:$0x1FEE0] =	vst v4;
	v4 =	vadd.f32 $1.000000000e+00, v11;
	v6 =	vsel vm3, $0xFFFFFFFF, v6  }
0x115: {  	v63 =	vimm.s32 $0x0;
	v9 =	vpop (erf);
	vm3 =	veq.s32 v1, $0x7;
	[tilespmem:$0x1FF10] =	vst v6;
	v6 =	vimm.s32 $0x0  }
0x116: {  	v7 =	vpop (erf);
	(erf) = vrcp.f32 v4;
	v6 =	vsel vm3, $0xFFFFFFFF, v6;
	vm3 =	veq.s32 v0, $0x0  }
0x117: {  	v4 =	vimm.s32 $0x0;
	v14 =	vsel vm3, $0xFFFFFFFF, v63;
	vm3 =	veq.s32 v0, $0x1  }
0x118: {  	v4 =	vsel vm3, $0xFFFFFFFF, v4  }
0x119: {  	vm3 =	veq.s32 v0, $0x2;
	[tilespmem:$0x1FF40] =	vst v4;
	v4 =	vimm.s32 $0x0  }
0x11a: {  	v4 =	vsel vm3, $0xFFFFFFFF, v4  }
0x11b: {  	vm3 =	veq.s32 v0, $0x3;
	[tilespmem:$0x1FF50] =	vst v4;
	v4 =	vimm.s32 $0x0  }
0x11c: {  	v4 =	vsel vm3, $0xFFFFFFFF, v4  }
0x11d: {  	vm3 =	veq.s32 v0, $0x4;
	[tilespmem:$0x1FF60] =	vst v4;
	v4 =	vimm.s32 $0x0  }
0x11e: {  	v4 =	vsel vm3, $0xFFFFFFFF, v4  }
0x11f: {  	vm3 =	veq.s32 v0, $0x5;
	[tilespmem:$0x1FF70] =	vst v4;
	v4 =	vimm.s32 $0x0  }
0x120: {  	v4 =	vsel vm3, $0xFFFFFFFF, v4  }
0x121: {  	vm3 =	veq.s32 v0, $0x6;
	[tilespmem:$0x1FF80] =	vst v4;
	v4 =	vimm.s32 $0x0  }
0x122: {  	v61 =	vxor.u32 $0x7, v60;
	[tilespmem:$0x1FF00] =	vst v5;
	v4 =	vsel vm3, $0xFFFFFFFF, v4  }
0x123: {  	v5 =	vadd.f32 $1.000000000e+00, v9;
	vm3 =	veq.s32 v0, $0x7;
	[tilespmem:$0x1FF90] =	vst v4;
	v4 =	vimm.s32 $0x0  }
0x124: {  	v62 =	vxor.u32 $0x7, v8;
	[tilespmem:$0x1FF20] =	vst v6;
	v6 =	vadd.f32 $1.000000000e+00, v7;
	v4 =	vsel vm3, $0xFFFFFFFF, v4  }
0x125: {  	vm13 =	veq.s32 v3, $0x0;
	(erf) = vrcp.f32 v5;
	[tilespmem:$0x1FFA0] =	vst v4;
	v4 =	vsel vm2, v8, v62  }
0x126: {  	(erf) = vrcp.f32 v6;
	v6 =	vimm.s32 $0x0;
	vm7 =	veq.s32 v4, $0x2  }
0x127: {  	vm14 =	veq.s32 v3, $0x1;
	vm12 =	veq.s32 v3, $0x2;
	v6 =	vsel vm7, $0xFFFFFFFF, v6  }
0x128: {  	vm11 =	veq.s32 v3, $0x3;
	vm7 =	veq.s32 v4, $0x3;
	[tilespmem:$0x1FFB0] =	vst v6;
	v6 =	vimm.s32 $0x0  }
0x129: {  	vm9 =	veq.s32 v3, $0x4;
	v10 =	vxor.u32 $0x7, v2;
	v6 =	vsel vm7, $0xFFFFFFFF, v6  }
0x12a: {  	s15 =	sadd.s32 $0x4, s15;
	v5 =	vsel vm1, v60, v61;
	vm7 =	veq.s32 v4, $0x4;
	[tilespmem:$0x1FFC0] =	vst v6;
	v6 =	vimm.s32 $0x0  }
0x12b: {  	p0 =	slt.u32 s15, $0x3C;
	v2 =	vsel vm0, v2, v10;
	vm6 =	veq.s32 v5, $0x0;
	v6 =	vsel vm7, $0xFFFFFFFF, v6  }
.Ltmp0:
0x12c: {  	vm5 =	veq.s32 v5, $0x1;
	vm7 =	veq.s32 v4, $0x5;
	[tilespmem:$0x1FFD0] =	vst v6;
	v6 =	vimm.s32 $0x0;
	(pc) =	sbr.rel @p0 .LBB2_2-.Ltmp0, $4  }
0x12d: {  	[tilespmem:s31+$0x80] =	vst v17;
	vm4 =	veq.s32 v5, $0x2;
	vm15 =	veq.s32 v5, $0x5;
	v6 =	vsel vm7, $0xFFFFFFFF, v6  }
0x12e: {  	vm1 =	veq.s32 v5, $0x6;
	vm7 =	veq.s32 v4, $0x6;
	[tilespmem:$0x1FFE0] =	vst v6;
	v6 =	vimm.s32 $0x0  }
0x12f: {  	s16 =	sadd.s32 $0x40, s16;
	s11 =	smov.u32 s28;
	vm0 =	veq.s32 v5, $0x7;
	[tilespmem:$0x1FF30] =	vst v14;
	vm3 =	veq.s32 v5, $0x3;
	v6 =	vsel vm7, $0xFFFFFFFF, v6  }
0x130: {  	s18 =	sor.u32 s20, s30;
	s26 =	sor.u32 s22, s30;
	s19 =	sor.u32 s23, s30;
	v10 =	vpop (erf);
	vm2 =	veq.s32 v5, $0x4;
	vm10 =	veq.s32 v4, $0x0;
	vm8 =	veq.s32 v4, $0x1;
	[tilespmem:$0x1FFF0] =	vst v6  }
0x131: {  	v6 =	vmul.f32 v10, v11;
	_ =	sdelay $0x1  }
0x132: {  	v8 =	vnsel vm13, $0x0, v6  }
0x133: {  	v11 =	vnsel vm14, $0x0, v6;
	v8 =	vsel vm6, v10, v8  }
0x134: {  	v12 =	vnsel vm12, $0x0, v6;
	v11 =	vsel vm5, v10, v11;
	[tilespmem:s13+$0x2000] =	vst v8  }
0x135: {  	v53 =	vnsel vm11, $0x0, v6;
	v12 =	vsel vm4, v10, v12;
	[tilespmem:s13+$0x2080] =	vst v11  }
0x136: {  	v54 =	vnsel vm9, $0x0, v6;
	v8 =	vsel vm3, v10, v53;
	[tilespmem:s13+$0x2100] =	vst v12  }
0x137: {  	v11 =	vsel vm2, v10, v54;
	v12 =	vld [tilespmem:$0x1FE80];
	[tilespmem:s13+$0x2180] =	vst v8  }
0x138: {  	v8 =	vld [tilespmem:$0x1FE90];
	[tilespmem:s13+$0x2200] =	vst v11  }
0x139: {  	v11 =	vld [tilespmem:$0x1FEA0];
	_ =	sdelay $0x2  }
0x13a: {  	vm14 =	vnez.u8 v12  }
0x13b: {  	v12 =	vnsel vm14, $0x0, v6;
	vm6 =	vnez.u8 v8  }
0x13c: {  	v8 =	vnsel vm6, $0x0, v6;
	v12 =	vsel vm15, v10, v12;
	vm7 =	vnez.u8 v11  }
0x13d: {  	v6 =	vnsel vm7, $0x0, v6;
	v8 =	vsel vm1, v10, v8;
	[tilespmem:s13+$0x2280] =	vst v12  }
0x13e: {  	v6 =	vsel vm0, v10, v6;
	[tilespmem:s13+$0x2300] =	vst v8  }
0x13f: {  	[tilespmem:s13+$0x2380] =	vst v6  }
0x140: {  	v6 =	vld [tilespmem:$0x1FEB0];
	_ =	sdelay $0x2  }
0x141: {  	v55 =	vpop (erf)  }
0x142: {  	v9 =	vmul.f32 v55, v9  }
0x143: {  	[tilespmem:s26+$0x0] =	vst v5;
	vm9 =	vnez.u8 v6  }
0x144: {  	v5 =	vld [tilespmem:$0x1FEC0];
	v6 =	vnsel vm9, $0x0, v9  }
0x145: {  	[tilespmem:s26+$0x80] =	vst v3;
	v6 =	vsel vm10, v55, v6  }
0x146: {  	v3 =	vld [tilespmem:$0x1FED0];
	[tilespmem:s12+$0x2000] =	vst v6  }
0x147: {  	v8 =	vld [tilespmem:$0x1FFB0];
	_ =	sdelay $0x1  }
0x148: {  	vm11 =	vnez.u8 v5  }
0x149: {  	v5 =	vnsel vm11, $0x0, v9  }
0x14a: {  	vm12 =	vnez.u8 v3;
	v5 =	vsel vm8, v55, v5  }
0x14b: {  	v3 =	vnsel vm12, $0x0, v9;
	v6 =	vld [tilespmem:$0x1FEE0];
	[tilespmem:s12+$0x2080] =	vst v5;
	vm14 =	vnez.u8 v8  }
0x14c: {  	v56 =	vld [tilespmem:$0x1FFC0];
	v3 =	vsel vm14, v55, v3  }
0x14d: {  	v5 =	vld [tilespmem:$0x1FEF0];
	[tilespmem:s12+$0x2100] =	vst v3  }
0x14e: {  	v57 =	vld [tilespmem:$0x1FFD0];
	_ =	sdelay $0x1  }
0x14f: {  	vm13 =	vnez.u8 v6  }
0x150: {  	v6 =	vnsel vm13, $0x0, v9;
	vm4 =	vnez.u8 v56  }
0x151: {  	vm15 =	vnez.u8 v5;
	v6 =	vsel vm4, v55, v6  }
0x152: {  	v5 =	vnsel vm15, $0x0, v9;
	v3 =	vld [tilespmem:$0x1FF00];
	[tilespmem:s12+$0x2180] =	vst v6;
	vm6 =	vnez.u8 v57  }
0x153: {  	v6 =	vld [tilespmem:$0x1FF10];
	v5 =	vsel vm6, v55, v5  }
0x154: {  	v58 =	vld [tilespmem:$0x1FFE0];
	[tilespmem:s12+$0x2200] =	vst v5  }
0x155: {  	v5 =	vld [tilespmem:$0x1FF20]  }
0x156: {  	v59 =	vld [tilespmem:$0x1FFF0];
	_ =	sdelay $0x2  }
0x157: {  	vm5 =	vnez.u8 v3;
	vm7 =	vnez.u8 v6  }
0x158: {  	v3 =	vnsel vm5, $0x0, v9;
	vm8 =	vnez.u8 v58;
	v6 =	vnsel vm7, $0x0, v9  }
0x159: {  	v3 =	vsel vm8, v55, v3;
	vm9 =	vnez.u8 v5;
	vm10 =	vnez.u8 v59  }
0x15a: {  	vm11 =	veq.s32 v4, $0x7;
	[tilespmem:s12+$0x2280] =	vst v3;
	v5 =	vnsel vm9, $0x0, v9;
	v6 =	vsel vm10, v55, v6  }
0x15b: {  	v61 =	vsel vm11, v55, v5;
	[tilespmem:s12+$0x2300] =	vst v6  }
0x15c: {  	[tilespmem:s12+$0x2380] =	vst v61  }
0x15d: {  	v3 =	vld [tilespmem:$0x1FF30];
	[tilespmem:s19+$0x0] =	vst v4  }
0x15e: {  	v4 =	vld [tilespmem:$0x1FF40];
	_ =	sdelay $0x1  }
0x15f: {  	v60 =	vpop (erf)  }
0x160: {  	v62 =	vmul.f32 v60, v7  }
0x161: {  	vm12 =	vnez.u8 v3  }
0x162: {  	vm13 =	veq.s32 v2, $0x0;
	v3 =	vnsel vm12, $0x0, v62;
	vm14 =	vnez.u8 v4  }
0x163: {  	vm15 =	veq.s32 v2, $0x1;
	[tilespmem:s19+$0x80] =	vst v1;
	v4 =	vnsel vm14, $0x0, v62;
	v3 =	vsel vm13, v60, v3  }
0x164: {  	v1 =	vld [tilespmem:$0x1FF50];
	v4 =	vsel vm15, v60, v4;
	[tilespmem:s11+$0x2000] =	vst v3  }
0x165: {  	v3 =	vld [tilespmem:$0x1FF60];
	[tilespmem:s11+$0x2080] =	vst v4  }
0x166: {  	v4 =	vld [tilespmem:$0x1FF70];
	_ =	sdelay $0x2  }
0x167: {  	vm5 =	veq.s32 v2, $0x2;
	vm4 =	vnez.u8 v1  }
0x168: {  	vm7 =	veq.s32 v2, $0x3;
	v1 =	vnsel vm4, $0x0, v62;
	vm6 =	vnez.u8 v3  }
0x169: {  	v1 =	vsel vm5, v60, v1;
	v3 =	vnsel vm6, $0x0, v62;
	vm8 =	vnez.u8 v4  }
0x16a: {  	vm9 =	veq.s32 v2, $0x4;
	[tilespmem:s11+$0x2100] =	vst v1;
	v4 =	vnsel vm8, $0x0, v62;
	v3 =	vsel vm7, v60, v3  }
0x16b: {  	v1 =	vld [tilespmem:$0x1FF80];
	v4 =	vsel vm9, v60, v4;
	[tilespmem:s11+$0x2180] =	vst v3  }
0x16c: {  	v3 =	vld [tilespmem:$0x1FF90];
	[tilespmem:s11+$0x2200] =	vst v4  }
0x16d: {  	v4 =	vld [tilespmem:$0x1FFA0];
	_ =	sdelay $0x2  }
0x16e: {  	vm11 =	veq.s32 v2, $0x5;
	vm10 =	vnez.u8 v1  }
0x16f: {  	vm13 =	veq.s32 v2, $0x6;
	v1 =	vnsel vm10, $0x0, v62;
	vm12 =	vnez.u8 v3  }
0x170: {  	v1 =	vsel vm11, v60, v1;
	v3 =	vnsel vm12, $0x0, v62;
	vm14 =	vnez.u8 v4  }
0x171: {  	vm15 =	veq.s32 v2, $0x7;
	[tilespmem:s11+$0x2280] =	vst v1;
	v4 =	vnsel vm14, $0x0, v62;
	v3 =	vsel vm13, v60, v3  }
0x172: {  	v63 =	vsel vm15, v60, v4;
	[tilespmem:s11+$0x2300] =	vst v3  }
0x173: {  	[tilespmem:s14+$0x2000] =	vst v63  }
0x174: {  	[tilespmem:s18+$0x0] =	vst v2  }
0x175: {  	[tilespmem:s18+$0x80] =	vst v0  }
0x176: {  	[hbm4b:s4+s2] =	stream.linear.scatter [tilespmem:s8], [sflag:$0x1], $0x2000, $0x38;
	[tilespmem:$0x4800] =	vst v63  }
0x177: {  	s10 =	sadd.s32 $0x1, s10;
	_ =	swait.ge [sflag:s7], $0x2000  }
0x178: {  	p0 =	sne.s32 s10, s6;
	[sflag:s7] =	ssyncset.done $0x0  }
.Ltmp1:
0x179: {  	[sflag:s7] =	ssyncadd.s32 $0xFFFFE000;
	(pc) =	sbr.rel @p0 .LBB2_1-.Ltmp1, $4  }
0x17a: {  	[hbm4b:s5+s2] =	stream.linear.scatter [tilespmem:s9], [sflag:$0x1], $0x800, $0x38;
	[tilespmem:$0x4800] =	vst v63  }
0x17b: {  	_ =	swait.ge [sflag:s7], $0x800  }
0x17c: {  	[sflag:s7] =	ssyncset.done $0x0  }
0x17d: {  	[sflag:s7] =	ssyncadd.s32 $0xFFFFF800  }
0x17e: {  	_ =	sfence.sel $0x180000  }
0x17f: {  	[bflag:$0x0] =	sbarrier.arrive $0xFFFF  }
0x180: {  	p0 =	sne.s32 s1, $0x0;
	_ =	strace $0x90000047  }
0x181: {  	s0 =	sadd.s32 @!p0 $0x100000, s0;
	[bflag:$0x2] =	sbarrier.arrive $0xFFFF  }
0x182: {  	[sflag:s0] =	ssyncadd.tile.s32 @!p0 $0x1;
	_ =	shalt  }
.Lfunc_end2:
_tile_overlayer_lowered:
.L_overlay_start_2:
0x183: {  	(tag) =	ssettag $0x2  }
0x184: {  	s0 =	rddreg [dreg:$0x0];
	s2 =	stileid.u32  }
0x185: {  	s1 =	rddreg [dreg:$0x1];
	p0 =	sne.s32 s2, $0x0  }
0x186: {  	s3 =	rddreg [dreg:$0x2];
	[bflag:$0x3] =	sbarrier.arrive $0xFFFF;
	s2 =	simm.s32 @!p0 $0x1C01  }
0x187: {  	[timem:s3], [sflag:s2] =	dma.local @!p0 [hbm:s0], s1  }
0x188: {  	s0 =	simm.s32 @!p0 $0x1  }
0x189: {  	_ =	swait.ge @!p0 [sflag:s0], s1  }
0x18a: {  	s1 =	ssub.s32 @!p0 $0x0, s1;
	[sflag:s0] =	ssyncset.done @!p0 $0x0  }
0x18b: {  	[sflag:s0] =	ssyncadd.s32 @!p0 s1  }
0x18c: {  	[bflag:$0x3] =	sbarrier.arrive $0xFFFF  }
0x18d: {  	_ =	shalt  }

</sc_bundles>
